<compile_context>
chip_gen: v7x
topology: tpu7x:2x2x1
jax: 0.10.2.dev20260603
libtpu: 0.0.44.dev20260713+nightly
codegen_flags: <defaults>
</compile_context>

<pallas_src>
import functools

import jax
import jax.numpy as jnp
import numpy as np
from jax import lax
from jax.experimental import pallas as pl
from jax.experimental.pallas import tpu as pltpu
from jax.experimental.pallas import tpu_sc as plsc

N = 10000
K = 32
RADIAL = 256
HIDDEN = 128
OUT = 64
E = N * K
LOG2 = float(np.log(2.0))

_CH = 80
_GCH = 25



def _sc_gather(table, idx):
    info = plsc.get_sparse_core_info()
    nw = info.num_cores * info.num_subcores
    e_per_w = E // nw
    ngroup = e_per_w // (_CH * _GCH)
    mesh = plsc.VectorSubcoreMesh(core_axis_name="c", subcore_axis_name="s")

    @functools.partial(
        pl.kernel,
        mesh=mesh,
        out_type=jax.ShapeDtypeStruct((E, 2 * OUT), jnp.float32),
        scratch_types=[
            pltpu.VMEM((e_per_w,), jnp.int32),
            pltpu.VMEM((_CH, OUT), jnp.float32),
            pltpu.VMEM((_CH, OUT), jnp.float32),
            pltpu.SemaphoreType.DMA,
            pltpu.SemaphoreType.DMA,
            pltpu.SemaphoreType.DMA,
            pltpu.SemaphoreType.DMA,
        ],
        compiler_params=pltpu.CompilerParams(use_tc_tiling_on_sc=False),
    )
    def gather_kernel(table_hbm, idx_hbm, out_hbm, idx_v, rows0, rows1,
                      gsem0, gsem1, ssem0, ssem1):
        wid = lax.axis_index("s") * info.num_cores + lax.axis_index("c")
        base = wid * e_per_w
        pltpu.sync_copy(idx_hbm.at[pl.ds(base, e_per_w)], idx_v)

        rows = (rows0, rows1)
        gsem = (gsem0, gsem1)
        ssem = (ssem0, ssem1)

        def group(gi, carry):
            goff = gi * (_CH * _GCH)
            gath = [None, None]
            scat = [None, None]
            for g in range(_GCH):
                b = g & 1
                off = goff + g * _CH
                if g >= 2:
                    scat[b].wait()
                gath[b] = pltpu.async_copy(
                    table_hbm.at[idx_v.at[pl.ds(off, _CH)]], rows[b], gsem[b])
                if g >= 1:
                    p = 1 - b
                    gath[p].wait()
                    scat[p] = pltpu.async_copy(
                        rows[p],
                        out_hbm.at[pl.ds(base + off - _CH, _CH),
                                   pl.ds(0, OUT)], ssem[p])
            last = (_GCH - 1) & 1
            gath[last].wait()
            scat[last] = pltpu.async_copy(
                rows[last],
                out_hbm.at[pl.ds(base + goff + (_GCH - 1) * _CH, _CH),
                           pl.ds(0, OUT)],
                ssem[last])
            scat[0].wait()
            scat[1].wait()
            return carry

        lax.fori_loop(0, ngroup, group, 0)

    return gather_kernel(table, idx)



_BN = 200
_EB = _BN * K
_GRID = N // _BN


def _ssp(x):
    return jnp.maximum(x, 0.0) + jnp.log1p(jnp.exp(-jnp.abs(x))) - LOG2


def _tc_body(bf_ref, hs_ref, he_ref, co_ref,
             w1_ref, b1_ref, w2_ref, b2_ref, w3_ref, b3_ref, w4_ref, b4_ref,
             out_ref):
    x = bf_ref[...]
    x = _ssp(jnp.dot(x, w1_ref[...],
                     preferred_element_type=jnp.float32) + b1_ref[...])
    x = _ssp(jnp.dot(x, w2_ref[...],
                     preferred_element_type=jnp.float32) + b2_ref[...])
    hs = hs_ref[...].reshape(_EB, 2 * OUT)[:, :OUT]
    v = (x * hs * he_ref[...]).reshape(_BN, K, OUT)
    v = v * co_ref[...][:, :, None]
    m = jnp.sum(v, axis=1)
    m = _ssp(jnp.dot(m, w3_ref[...],
                     preferred_element_type=jnp.float32) + b3_ref[...])
    out_ref[...] = _ssp(jnp.dot(m, w4_ref[...],
                                preferred_element_type=jnp.float32) + b4_ref[...])


def _tc_conv(bf2, hs_flat, he2, cutoff, W1, b1, W2, b2, W3, b3, W4, b4):
    edge_spec = lambda w: pl.BlockSpec((_EB, w), lambda i: (i, 0))
    full_spec = lambda a: pl.BlockSpec(a.shape, lambda i: (0,) * a.ndim)
    return pl.pallas_call(
        _tc_body,
        grid=(_GRID,),
        in_specs=[
            edge_spec(RADIAL),
            pl.BlockSpec((_EB * 2 * OUT,), lambda i: (i,)),
            edge_spec(OUT),
            pl.BlockSpec((_BN, K), lambda i: (i, 0)),
            full_spec(W1), full_spec(b1),
            full_spec(W2), full_spec(b2),
            full_spec(W3), full_spec(b3),
            full_spec(W4), full_spec(b4),
        ],
        out_specs=pl.BlockSpec((_BN, OUT), lambda i: (i, 0)),
        out_shape=jax.ShapeDtypeStruct((N, OUT), jnp.float32),
        compiler_params=pltpu.CompilerParams(
            dimension_semantics=("arbitrary",),
        ),
    )(bf2, hs_flat, he2, cutoff, W1, b1, W2, b2, W3, b3, W4, b4)


def kernel(bf, h, knn, h_edge, cutoff, W1, b1, W2, b2, W3, b3, W4, b4):
    idx = knn.reshape(-1).astype(jnp.int32)
    h_src = _sc_gather(h, idx)
    bf2 = bf.reshape(E, RADIAL)
    he2 = h_edge.reshape(E, OUT)
    return _tc_conv(bf2, h_src.reshape(-1), he2, cutoff,
                    W1, b1.reshape(1, HIDDEN), W2, b2.reshape(1, OUT),
                    W3, b3.reshape(1, OUT), W4, b4.reshape(1, OUT))

# --- scband reference (transcript-rebuilt; emitter-appended) ---
"""Pipeline reference for scband-schnet-conv-71708773974042 (READ-ONLY COPY).

The authoritative reference and input builder live on the scoring server;
editing this copy changes nothing except your own understanding.
"""

import jax, jax.numpy as jnp
import numpy as np

N = 10000
K = 32
RADIAL = 256
HIDDEN = 128
OUT = 64
LOG2 = float(np.log(2.0))


def ssp(x):
    # shifted softplus activation used by SchNet MLP blocks
    return jax.nn.softplus(x) - LOG2


def mlp(x, W, b):
    return ssp(x @ W + b)


def setup_inputs(seed: int = 0) -> dict:
    key = jax.random.key(seed)
    ks = jax.random.split(key, 13)
    bf = jax.random.normal(ks[0], (N, K, RADIAL), dtype=jnp.float32)
    h = jax.random.normal(ks[1], (N, OUT), dtype=jnp.float32)
    knn = jax.random.randint(ks[2], (N, K), 0, N, dtype=jnp.int64)
    h_edge = jax.random.normal(ks[3], (N, K, OUT), dtype=jnp.float32)
    cutoff = jax.random.uniform(ks[4], (N, K), dtype=jnp.float32)
    # learned parameters (Linear layers inside each MLP)
    W1 = jax.random.normal(ks[5], (RADIAL, HIDDEN), dtype=jnp.float32) / np.sqrt(RADIAL)
    b1 = jnp.zeros((HIDDEN,), dtype=jnp.float32)
    W2 = jax.random.normal(ks[6], (HIDDEN, OUT), dtype=jnp.float32) / np.sqrt(HIDDEN)
    b2 = jnp.zeros((OUT,), dtype=jnp.float32)
    W3 = jax.random.normal(ks[7], (OUT, OUT), dtype=jnp.float32) / np.sqrt(OUT)
    b3 = jnp.zeros((OUT,), dtype=jnp.float32)
    W4 = jax.random.normal(ks[8], (OUT, OUT), dtype=jnp.float32) / np.sqrt(OUT)
    b4 = jnp.zeros((OUT,), dtype=jnp.float32)
    return {"bf": bf, "h": h, "knn": knn, "h_edge": h_edge, "cutoff": cutoff,
            "W1": W1, "b1": b1, "W2": W2, "b2": b2, "W3": W3, "b3": b3, "W4": W4, "b4": b4}


def reference(bf, h, knn, h_edge, cutoff, W1, b1, W2, b2, W3, b3, W4, b4):
    # FGN: filter-generating network on radial basis features
    bf = mlp(bf, W1, b1)          # [N, K, HIDDEN]
    bf = mlp(bf, W2, b2)          # [N, K, OUT]
    # gather neighbor node features: torch.index_select(h, 0, knn.flatten()).unflatten(...)
    h_src = jnp.take(h, knn.reshape(-1), axis=0).reshape(knn.shape + (h.shape[-1],))  # [N, K, OUT]
    # continuous-filter convolution: elementwise product then sum over neighbors
    m = jnp.sum(h_src * bf * h_edge * cutoff[..., None], axis=-2)  # [N, OUT]
    # interaction block MLPs
    out = mlp(m, W3, b3)
    return mlp(out, W4, b4)

if __name__ == "__main__":
    import jax
    _d = setup_inputs()
    print(jax.jit(kernel)(*tuple(_d.values())))

</pallas_src>

<mosaic_0001>
#map = affine_map<(d0, d1) -> (0, 0)>
#map1 = affine_map<(d0, d1) -> (0)>
module attributes {stable_mosaic.version = 14 : i64} {
  func.func @gather_kernel(%arg0: i32, %arg1: i32, %arg2: memref<10000x64xf32, #tpu.memory_space<hbm>>, %arg3: memref<320000xi32, #tpu.memory_space<hbm>>, %arg4: memref<320000x128xf32, #tpu.memory_space<hbm>>, %arg5: memref<10000xi32, #tpu.memory_space<vmem>>, %arg6: memref<80x64xf32, #tpu.memory_space<vmem>>, %arg7: memref<80x64xf32, #tpu.memory_space<vmem>>, %arg8: memref<!tpu.dma_semaphore, #tpu.memory_space<semaphore_mem>>, %arg9: memref<!tpu.dma_semaphore, #tpu.memory_space<semaphore_mem>>, %arg10: memref<!tpu.dma_semaphore, #tpu.memory_space<semaphore_mem>>, %arg11: memref<!tpu.dma_semaphore, #tpu.memory_space<semaphore_mem>>) attributes {dimension_semantics = [#tpu.dimension_semantics<core_parallel>, #tpu.dimension_semantics<subcore_parallel>], iteration_bounds = array<i64: 2, 16>, scalar_prefetch = 0 : i64, scratch_operands = 7 : i64, tpu.core_type = #tpu.core_type<sc_vector_subcore>, window_params = [{transform_indices = #map}, {transform_indices = #map1}, {transform_indices = #map}]} {
    %mul3A = arith.constant 2 : i32
    %mul3A_0 = arith.muli %arg1, %mul3A : i32
    %add3A = arith.addi %mul3A_0, %arg0 : i32
    %mul3A_1 = arith.constant 10000 : i32
    %mul3A_2 = arith.muli %add3A, %mul3A_1 : i32
    "tpu.region"() ({
      %run_scoped3A = tpu.sem_alloc : memref<!tpu.dma_semaphore, #tpu.memory_space<semaphore_mem>>
      %dma_start3A = tpu.memref_slice %arg3[%mul3A_2] : memref<320000xi32, #tpu.memory_space<hbm>> -> memref<10000xi32, #tpu.memory_space<hbm>>
      %dma_start3A_8 = tpu.memref_slice %arg3[%mul3A_2] : memref<320000xi32, #tpu.memory_space<hbm>> -> memref<10000xi32, #tpu.memory_space<hbm>>
      tpu.enqueue_dma source(%dma_start3A_8 : memref<10000xi32, #tpu.memory_space<hbm>>) target(%arg5 : memref<10000xi32, #tpu.memory_space<vmem>>) target_semaphore(%run_scoped3A : memref<!tpu.dma_semaphore, #tpu.memory_space<semaphore_mem>>)
      %dma_wait3A = tpu.memref_slice %arg3[%mul3A_2] : memref<320000xi32, #tpu.memory_space<hbm>> -> memref<10000xi32, #tpu.memory_space<hbm>>
      %dma_wait3A_9 = tpu.memref_slice %arg3[%mul3A_2] : memref<320000xi32, #tpu.memory_space<hbm>> -> memref<10000xi32, #tpu.memory_space<hbm>>
      tpu.wait_dma2 semaphore(%run_scoped3A : memref<!tpu.dma_semaphore, #tpu.memory_space<semaphore_mem>>) src(%dma_wait3A_9 : memref<10000xi32, #tpu.memory_space<hbm>>) dst(%arg5 : memref<10000xi32, #tpu.memory_space<vmem>>)
      tpu.yield
    }) : () -> ()
    %scan3A = arith.constant 0 : i32
    %scan3A_3 = arith.constant 0 : i32
    %scan3A_4 = arith.constant 5 : i32
    %scan3A_5 = arith.addi %scan3A_3, %scan3A_4 : i32
    %scan3A_6 = arith.constant 1 : i32
    scf.for %scan3A_8 = %scan3A_3 to %scan3A_5 step %scan3A_6  : i32 {
      %mul3A_9 = arith.constant 2000 : i32
      %mul3A_10 = arith.muli %scan3A_8, %mul3A_9 : i32
      %add3A_11 = arith.constant 0 : i32
      %add3A_12 = arith.addi %mul3A_10, %add3A_11 : i32
      %dma_start3A = tpu.memref_slice %arg5[%add3A_12] : memref<10000xi32, #tpu.memory_space<vmem>> -> memref<80xi32, #tpu.memory_space<vmem>>
      %dma_start3A_13 = arith.constant 0 : i32
      %dma_start3A_14 = arith.constant 0 : i32
      %dma_start3A_15 = tpu.memref_slice %arg2[%dma_start3A_13, %dma_start3A_14] : memref<10000x64xf32, #tpu.memory_space<hbm>> -> memref<10000x64xf32, #tpu.memory_space<hbm>>
      tpu.enqueue_indirect_dma source(%dma_start3A_15 : memref<10000x64xf32, #tpu.memory_space<hbm>>) target(%arg6 : memref<80x64xf32, #tpu.memory_space<vmem>>) offsets(%dma_start3A : memref<80xi32, #tpu.memory_space<vmem>>) semaphore(%arg8 : memref<!tpu.dma_semaphore, #tpu.memory_space<semaphore_mem>>)
      %add3A_16 = arith.constant 80 : i32
      %add3A_17 = arith.addi %mul3A_10, %add3A_16 : i32
      %dma_start3A_18 = tpu.memref_slice %arg5[%add3A_17] : memref<10000xi32, #tpu.memory_space<vmem>> -> memref<80xi32, #tpu.memory_space<vmem>>
      %dma_start3A_19 = arith.constant 0 : i32
      %dma_start3A_20 = arith.constant 0 : i32
      %dma_start3A_21 = tpu.memref_slice %arg2[%dma_start3A_19, %dma_start3A_20] : memref<10000x64xf32, #tpu.memory_space<hbm>> -> memref<10000x64xf32, #tpu.memory_space<hbm>>
      tpu.enqueue_indirect_dma source(%dma_start3A_21 : memref<10000x64xf32, #tpu.memory_space<hbm>>) target(%arg7 : memref<80x64xf32, #tpu.memory_space<vmem>>) offsets(%dma_start3A_18 : memref<80xi32, #tpu.memory_space<vmem>>) semaphore(%arg9 : memref<!tpu.dma_semaphore, #tpu.memory_space<semaphore_mem>>)
      %dma_wait3A = tpu.memref_slice %arg5[%add3A_12] : memref<10000xi32, #tpu.memory_space<vmem>> -> memref<80xi32, #tpu.memory_space<vmem>>
      %dma_wait3A_22 = arith.constant 0 : i32
      %dma_wait3A_23 = arith.constant 0 : i32
      %dma_wait3A_24 = tpu.memref_slice %arg2[%dma_wait3A_22, %dma_wait3A_23] : memref<10000x64xf32, #tpu.memory_space<hbm>> -> memref<10000x64xf32, #tpu.memory_space<hbm>>
      tpu.wait_indirect_dma semaphore(%arg8 : memref<!tpu.dma_semaphore, #tpu.memory_space<semaphore_mem>>) src(%dma_wait3A_24 : memref<10000x64xf32, #tpu.memory_space<hbm>>) dst(%arg6 : memref<80x64xf32, #tpu.memory_space<vmem>>)
      %add3A_25 = arith.addi %mul3A_2, %add3A_17 : i32
      %sub3A = arith.constant 80 : i32
      %sub3A_26 = arith.subi %add3A_25, %sub3A : i32
      %dma_start3A_27 = arith.constant 0 : i32
      %dma_start3A_28 = tpu.memref_slice %arg4[%sub3A_26, %dma_start3A_27] : memref<320000x128xf32, #tpu.memory_space<hbm>> -> memref<80x64xf32, #tpu.memory_space<hbm>>
      %dma_start3A_29 = arith.constant 0 : i32
      %dma_start3A_30 = tpu.memref_slice %arg4[%sub3A_26, %dma_start3A_29] : memref<320000x128xf32, #tpu.memory_space<hbm>> -> memref<80x64xf32, #tpu.memory_space<hbm>>
      tpu.enqueue_dma source(%arg6 : memref<80x64xf32, #tpu.memory_space<vmem>>) target(%dma_start3A_30 : memref<80x64xf32, #tpu.memory_space<hbm>>) target_semaphore(%arg10 : memref<!tpu.dma_semaphore, #tpu.memory_space<semaphore_mem>>)
      %add3A_31 = arith.constant 160 : i32
      %add3A_32 = arith.addi %mul3A_10, %add3A_31 : i32
      %dma_wait3A_33 = arith.constant 0 : i32
      %dma_wait3A_34 = tpu.memref_slice %arg4[%sub3A_26, %dma_wait3A_33] : memref<320000x128xf32, #tpu.memory_space<hbm>> -> memref<80x64xf32, #tpu.memory_space<hbm>>
      %dma_wait3A_35 = arith.constant 0 : i32
      %dma_wait3A_36 = tpu.memref_slice %arg4[%sub3A_26, %dma_wait3A_35] : memref<320000x128xf32, #tpu.memory_space<hbm>> -> memref<80x64xf32, #tpu.memory_space<hbm>>
      tpu.wait_dma2 semaphore(%arg10 : memref<!tpu.dma_semaphore, #tpu.memory_space<semaphore_mem>>) src(%arg6 : memref<80x64xf32, #tpu.memory_space<vmem>>) dst(%dma_wait3A_36 : memref<80x64xf32, #tpu.memory_space<hbm>>)
      %dma_start3A_37 = tpu.memref_slice %arg5[%add3A_32] : memref<10000xi32, #tpu.memory_space<vmem>> -> memref<80xi32, #tpu.memory_space<vmem>>
      %dma_start3A_38 = arith.constant 0 : i32
      %dma_start3A_39 = arith.constant 0 : i32
      %dma_start3A_40 = tpu.memref_slice %arg2[%dma_start3A_38, %dma_start3A_39] : memref<10000x64xf32, #tpu.memory_space<hbm>> -> memref<10000x64xf32, #tpu.memory_space<hbm>>
      tpu.enqueue_indirect_dma source(%dma_start3A_40 : memref<10000x64xf32, #tpu.memory_space<hbm>>) target(%arg6 : memref<80x64xf32, #tpu.memory_space<vmem>>) offsets(%dma_start3A_37 : memref<80xi32, #tpu.memory_space<vmem>>) semaphore(%arg8 : memref<!tpu.dma_semaphore, #tpu.memory_space<semaphore_mem>>)
      %dma_wait3A_41 = tpu.memref_slice %arg5[%add3A_17] : memref<10000xi32, #tpu.memory_space<vmem>> -> memref<80xi32, #tpu.memory_space<vmem>>
      %dma_wait3A_42 = arith.constant 0 : i32
      %dma_wait3A_43 = arith.constant 0 : i32
      %dma_wait3A_44 = tpu.memref_slice %arg2[%dma_wait3A_42, %dma_wait3A_43] : memref<10000x64xf32, #tpu.memory_space<hbm>> -> memref<10000x64xf32, #tpu.memory_space<hbm>>
      tpu.wait_indirect_dma semaphore(%arg9 : memref<!tpu.dma_semaphore, #tpu.memory_space<semaphore_mem>>) src(%dma_wait3A_44 : memref<10000x64xf32, #tpu.memory_space<hbm>>) dst(%arg7 : memref<80x64xf32, #tpu.memory_space<vmem>>)
      %add3A_45 = arith.addi %mul3A_2, %add3A_32 : i32
      %sub3A_46 = arith.constant 80 : i32
      %sub3A_47 = arith.subi %add3A_45, %sub3A_46 : i32
      %dma_start3A_48 = arith.constant 0 : i32
      %dma_start3A_49 = tpu.memref_slice %arg4[%sub3A_47, %dma_start3A_48] : memref<320000x128xf32, #tpu.memory_space<hbm>> -> memref<80x64xf32, #tpu.memory_space<hbm>>
      %dma_start3A_50 = arith.constant 0 : i32
      %dma_start3A_51 = tpu.memref_slice %arg4[%sub3A_47, %dma_start3A_50] : memref<320000x128xf32, #tpu.memory_space<hbm>> -> memref<80x64xf32, #tpu.memory_space<hbm>>
      tpu.enqueue_dma source(%arg7 : memref<80x64xf32, #tpu.memory_space<vmem>>) target(%dma_start3A_51 : memref<80x64xf32, #tpu.memory_space<hbm>>) target_semaphore(%arg11 : memref<!tpu.dma_semaphore, #tpu.memory_space<semaphore_mem>>)
      %add3A_52 = arith.constant 240 : i32
      %add3A_53 = arith.addi %mul3A_10, %add3A_52 : i32
      %dma_wait3A_54 = arith.constant 0 : i32
      %dma_wait3A_55 = tpu.memref_slice %arg4[%sub3A_47, %dma_wait3A_54] : memref<320000x128xf32, #tpu.memory_space<hbm>> -> memref<80x64xf32, #tpu.memory_space<hbm>>
      %dma_wait3A_56 = arith.constant 0 : i32
      %dma_wait3A_57 = tpu.memref_slice %arg4[%sub3A_47, %dma_wait3A_56] : memref<320000x128xf32, #tpu.memory_space<hbm>> -> memref<80x64xf32, #tpu.memory_space<hbm>>
      tpu.wait_dma2 semaphore(%arg11 : memref<!tpu.dma_semaphore, #tpu.memory_space<semaphore_mem>>) src(%arg7 : memref<80x64xf32, #tpu.memory_space<vmem>>) dst(%dma_wait3A_57 : memref<80x64xf32, #tpu.memory_space<hbm>>)
      %dma_start3A_58 = tpu.memref_slice %arg5[%add3A_53] : memref<10000xi32, #tpu.memory_space<vmem>> -> memref<80xi32, #tpu.memory_space<vmem>>
      %dma_start3A_59 = arith.constant 0 : i32
      %dma_start3A_60 = arith.constant 0 : i32
      %dma_start3A_61 = tpu.memref_slice %arg2[%dma_start3A_59, %dma_start3A_60] : memref<10000x64xf32, #tpu.memory_space<hbm>> -> memref<10000x64xf32, #tpu.memory_space<hbm>>
      tpu.enqueue_indirect_dma source(%dma_start3A_61 : memref<10000x64xf32, #tpu.memory_space<hbm>>) target(%arg7 : memref<80x64xf32, #tpu.memory_space<vmem>>) offsets(%dma_start3A_58 : memref<80xi32, #tpu.memory_space<vmem>>) semaphore(%arg9 : memref<!tpu.dma_semaphore, #tpu.memory_space<semaphore_mem>>)
      %dma_wait3A_62 = tpu.memref_slice %arg5[%add3A_32] : memref<10000xi32, #tpu.memory_space<vmem>> -> memref<80xi32, #tpu.memory_space<vmem>>
      %dma_wait3A_63 = arith.constant 0 : i32
      %dma_wait3A_64 = arith.constant 0 : i32
      %dma_wait3A_65 = tpu.memref_slice %arg2[%dma_wait3A_63, %dma_wait3A_64] : memref<10000x64xf32, #tpu.memory_space<hbm>> -> memref<10000x64xf32, #tpu.memory_space<hbm>>
      tpu.wait_indirect_dma semaphore(%arg8 : memref<!tpu.dma_semaphore, #tpu.memory_space<semaphore_mem>>) src(%dma_wait3A_65 : memref<10000x64xf32, #tpu.memory_space<hbm>>) dst(%arg6 : memref<80x64xf32, #tpu.memory_space<vmem>>)
      %add3A_66 = arith.addi %mul3A_2, %add3A_53 : i32
      %sub3A_67 = arith.constant 80 : i32
      %sub3A_68 = arith.subi %add3A_66, %sub3A_67 : i32
      %dma_start3A_69 = arith.constant 0 : i32
      %dma_start3A_70 = tpu.memref_slice %arg4[%sub3A_68, %dma_start3A_69] : memref<320000x128xf32, #tpu.memory_space<hbm>> -> memref<80x64xf32, #tpu.memory_space<hbm>>
      %dma_start3A_71 = arith.constant 0 : i32
      %dma_start3A_72 = tpu.memref_slice %arg4[%sub3A_68, %dma_start3A_71] : memref<320000x128xf32, #tpu.memory_space<hbm>> -> memref<80x64xf32, #tpu.memory_space<hbm>>
      tpu.enqueue_dma source(%arg6 : memref<80x64xf32, #tpu.memory_space<vmem>>) target(%dma_start3A_72 : memref<80x64xf32, #tpu.memory_space<hbm>>) target_semaphore(%arg10 : memref<!tpu.dma_semaphore, #tpu.memory_space<semaphore_mem>>)
      %add3A_73 = arith.constant 320 : i32
      %add3A_74 = arith.addi %mul3A_10, %add3A_73 : i32
      %dma_wait3A_75 = arith.constant 0 : i32
      %dma_wait3A_76 = tpu.memref_slice %arg4[%sub3A_68, %dma_wait3A_75] : memref<320000x128xf32, #tpu.memory_space<hbm>> -> memref<80x64xf32, #tpu.memory_space<hbm>>
      %dma_wait3A_77 = arith.constant 0 : i32
      %dma_wait3A_78 = tpu.memref_slice %arg4[%sub3A_68, %dma_wait3A_77] : memref<320000x128xf32, #tpu.memory_space<hbm>> -> memref<80x64xf32, #tpu.memory_space<hbm>>
      tpu.wait_dma2 semaphore(%arg10 : memref<!tpu.dma_semaphore, #tpu.memory_space<semaphore_mem>>) src(%arg6 : memref<80x64xf32, #tpu.memory_space<vmem>>) dst(%dma_wait3A_78 : memref<80x64xf32, #tpu.memory_space<hbm>>)
      %dma_start3A_79 = tpu.memref_slice %arg5[%add3A_74] : memref<10000xi32, #tpu.memory_space<vmem>> -> memref<80xi32, #tpu.memory_space<vmem>>
      %dma_start3A_80 = arith.constant 0 : i32
      %dma_start3A_81 = arith.constant 0 : i32
      %dma_start3A_82 = tpu.memref_slice %arg2[%dma_start3A_80, %dma_start3A_81] : memref<10000x64xf32, #tpu.memory_space<hbm>> -> memref<10000x64xf32, #tpu.memory_space<hbm>>
      tpu.enqueue_indirect_dma source(%dma_start3A_82 : memref<10000x64xf32, #tpu.memory_space<hbm>>) target(%arg6 : memref<80x64xf32, #tpu.memory_space<vmem>>) offsets(%dma_start3A_79 : memref<80xi32, #tpu.memory_space<vmem>>) semaphore(%arg8 : memref<!tpu.dma_semaphore, #tpu.memory_space<semaphore_mem>>)
      %dma_wait3A_83 = tpu.memref_slice %arg5[%add3A_53] : memref<10000xi32, #tpu.memory_space<vmem>> -> memref<80xi32, #tpu.memory_space<vmem>>
      %dma_wait3A_84 = arith.constant 0 : i32
      %dma_wait3A_85 = arith.constant 0 : i32
      %dma_wait3A_86 = tpu.memref_slice %arg2[%dma_wait3A_84, %dma_wait3A_85] : memref<10000x64xf32, #tpu.memory_space<hbm>> -> memref<10000x64xf32, #tpu.memory_space<hbm>>
      tpu.wait_indirect_dma semaphore(%arg9 : memref<!tpu.dma_semaphore, #tpu.memory_space<semaphore_mem>>) src(%dma_wait3A_86 : memref<10000x64xf32, #tpu.memory_space<hbm>>) dst(%arg7 : memref<80x64xf32, #tpu.memory_space<vmem>>)
      %add3A_87 = arith.addi %mul3A_2, %add3A_74 : i32
      %sub3A_88 = arith.constant 80 : i32
      %sub3A_89 = arith.subi %add3A_87, %sub3A_88 : i32
      %dma_start3A_90 = arith.constant 0 : i32
      %dma_start3A_91 = tpu.memref_slice %arg4[%sub3A_89, %dma_start3A_90] : memref<320000x128xf32, #tpu.memory_space<hbm>> -> memref<80x64xf32, #tpu.memory_space<hbm>>
      %dma_start3A_92 = arith.constant 0 : i32
      %dma_start3A_93 = tpu.memref_slice %arg4[%sub3A_89, %dma_start3A_92] : memref<320000x128xf32, #tpu.memory_space<hbm>> -> memref<80x64xf32, #tpu.memory_space<hbm>>
      tpu.enqueue_dma source(%arg7 : memref<80x64xf32, #tpu.memory_space<vmem>>) target(%dma_start3A_93 : memref<80x64xf32, #tpu.memory_space<hbm>>) target_semaphore(%arg11 : memref<!tpu.dma_semaphore, #tpu.memory_space<semaphore_mem>>)
      %add3A_94 = arith.constant 400 : i32
      %add3A_95 = arith.addi %mul3A_10, %add3A_94 : i32
      %dma_wait3A_96 = arith.constant 0 : i32
      %dma_wait3A_97 = tpu.memref_slice %arg4[%sub3A_89, %dma_wait3A_96] : memref<320000x128xf32, #tpu.memory_space<hbm>> -> memref<80x64xf32, #tpu.memory_space<hbm>>
      %dma_wait3A_98 = arith.constant 0 : i32
      %dma_wait3A_99 = tpu.memref_slice %arg4[%sub3A_89, %dma_wait3A_98] : memref<320000x128xf32, #tpu.memory_space<hbm>> -> memref<80x64xf32, #tpu.memory_space<hbm>>
      tpu.wait_dma2 semaphore(%arg11 : memref<!tpu.dma_semaphore, #tpu.memory_space<semaphore_mem>>) src(%arg7 : memref<80x64xf32, #tpu.memory_space<vmem>>) dst(%dma_wait3A_99 : memref<80x64xf32, #tpu.memory_space<hbm>>)
      %dma_start3A_100 = tpu.memref_slice %arg5[%add3A_95] : memref<10000xi32, #tpu.memory_space<vmem>> -> memref<80xi32, #tpu.memory_space<vmem>>
      %dma_start3A_101 = arith.constant 0 : i32
      %dma_start3A_102 = arith.constant 0 : i32
      %dma_start3A_103 = tpu.memref_slice %arg2[%dma_start3A_101, %dma_start3A_102] : memref<10000x64xf32, #tpu.memory_space<hbm>> -> memref<10000x64xf32, #tpu.memory_space<hbm>>
      tpu.enqueue_indirect_dma source(%dma_start3A_103 : memref<10000x64xf32, #tpu.memory_space<hbm>>) target(%arg7 : memref<80x64xf32, #tpu.memory_space<vmem>>) offsets(%dma_start3A_100 : memref<80xi32, #tpu.memory_space<vmem>>) semaphore(%arg9 : memref<!tpu.dma_semaphore, #tpu.memory_space<semaphore_mem>>)
      %dma_wait3A_104 = tpu.memref_slice %arg5[%add3A_74] : memref<10000xi32, #tpu.memory_space<vmem>> -> memref<80xi32, #tpu.memory_space<vmem>>
      %dma_wait3A_105 = arith.constant 0 : i32
      %dma_wait3A_106 = arith.constant 0 : i32
      %dma_wait3A_107 = tpu.memref_slice %arg2[%dma_wait3A_105, %dma_wait3A_106] : memref<10000x64xf32, #tpu.memory_space<hbm>> -> memref<10000x64xf32, #tpu.memory_space<hbm>>
      tpu.wait_indirect_dma semaphore(%arg8 : memref<!tpu.dma_semaphore, #tpu.memory_space<semaphore_mem>>) src(%dma_wait3A_107 : memref<10000x64xf32, #tpu.memory_space<hbm>>) dst(%arg6 : memref<80x64xf32, #tpu.memory_space<vmem>>)
      %add3A_108 = arith.addi %mul3A_2, %add3A_95 : i32
      %sub3A_109 = arith.constant 80 : i32
      %sub3A_110 = arith.subi %add3A_108, %sub3A_109 : i32
      %dma_start3A_111 = arith.constant 0 : i32
      %dma_start3A_112 = tpu.memref_slice %arg4[%sub3A_110, %dma_start3A_111] : memref<320000x128xf32, #tpu.memory_space<hbm>> -> memref<80x64xf32, #tpu.memory_space<hbm>>
      %dma_start3A_113 = arith.constant 0 : i32
      %dma_start3A_114 = tpu.memref_slice %arg4[%sub3A_110, %dma_start3A_113] : memref<320000x128xf32, #tpu.memory_space<hbm>> -> memref<80x64xf32, #tpu.memory_space<hbm>>
      tpu.enqueue_dma source(%arg6 : memref<80x64xf32, #tpu.memory_space<vmem>>) target(%dma_start3A_114 : memref<80x64xf32, #tpu.memory_space<hbm>>) target_semaphore(%arg10 : memref<!tpu.dma_semaphore, #tpu.memory_space<semaphore_mem>>)
      %add3A_115 = arith.constant 480 : i32
      %add3A_116 = arith.addi %mul3A_10, %add3A_115 : i32
      %dma_wait3A_117 = arith.constant 0 : i32
      %dma_wait3A_118 = tpu.memref_slice %arg4[%sub3A_110, %dma_wait3A_117] : memref<320000x128xf32, #tpu.memory_space<hbm>> -> memref<80x64xf32, #tpu.memory_space<hbm>>
      %dma_wait3A_119 = arith.constant 0 : i32
      %dma_wait3A_120 = tpu.memref_slice %arg4[%sub3A_110, %dma_wait3A_119] : memref<320000x128xf32, #tpu.memory_space<hbm>> -> memref<80x64xf32, #tpu.memory_space<hbm>>
      tpu.wait_dma2 semaphore(%arg10 : memref<!tpu.dma_semaphore, #tpu.memory_space<semaphore_mem>>) src(%arg6 : memref<80x64xf32, #tpu.memory_space<vmem>>) dst(%dma_wait3A_120 : memref<80x64xf32, #tpu.memory_space<hbm>>)
      %dma_start3A_121 = tpu.memref_slice %arg5[%add3A_116] : memref<10000xi32, #tpu.memory_space<vmem>> -> memref<80xi32, #tpu.memory_space<vmem>>
      %dma_start3A_122 = arith.constant 0 : i32
      %dma_start3A_123 = arith.constant 0 : i32
      %dma_start3A_124 = tpu.memref_slice %arg2[%dma_start3A_122, %dma_start3A_123] : memref<10000x64xf32, #tpu.memory_space<hbm>> -> memref<10000x64xf32, #tpu.memory_space<hbm>>
      tpu.enqueue_indirect_dma source(%dma_start3A_124 : memref<10000x64xf32, #tpu.memory_space<hbm>>) target(%arg6 : memref<80x64xf32, #tpu.memory_space<vmem>>) offsets(%dma_start3A_121 : memref<80xi32, #tpu.memory_space<vmem>>) semaphore(%arg8 : memref<!tpu.dma_semaphore, #tpu.memory_space<semaphore_mem>>)
      %dma_wait3A_125 = tpu.memref_slice %arg5[%add3A_95] : memref<10000xi32, #tpu.memory_space<vmem>> -> memref<80xi32, #tpu.memory_space<vmem>>
      %dma_wait3A_126 = arith.constant 0 : i32
      %dma_wait3A_127 = arith.constant 0 : i32
      %dma_wait3A_128 = tpu.memref_slice %arg2[%dma_wait3A_126, %dma_wait3A_127] : memref<10000x64xf32, #tpu.memory_space<hbm>> -> memref<10000x64xf32, #tpu.memory_space<hbm>>
      tpu.wait_indirect_dma semaphore(%arg9 : memref<!tpu.dma_semaphore, #tpu.memory_space<semaphore_mem>>) src(%dma_wait3A_128 : memref<10000x64xf32, #tpu.memory_space<hbm>>) dst(%arg7 : memref<80x64xf32, #tpu.memory_space<vmem>>)
      %add3A_129 = arith.addi %mul3A_2, %add3A_116 : i32
      %sub3A_130 = arith.constant 80 : i32
      %sub3A_131 = arith.subi %add3A_129, %sub3A_130 : i32
      %dma_start3A_132 = arith.constant 0 : i32
      %dma_start3A_133 = tpu.memref_slice %arg4[%sub3A_131, %dma_start3A_132] : memref<320000x128xf32, #tpu.memory_space<hbm>> -> memref<80x64xf32, #tpu.memory_space<hbm>>
      %dma_start3A_134 = arith.constant 0 : i32
      %dma_start3A_135 = tpu.memref_slice %arg4[%sub3A_131, %dma_start3A_134] : memref<320000x128xf32, #tpu.memory_space<hbm>> -> memref<80x64xf32, #tpu.memory_space<hbm>>
      tpu.enqueue_dma source(%arg7 : memref<80x64xf32, #tpu.memory_space<vmem>>) target(%dma_start3A_135 : memref<80x64xf32, #tpu.memory_space<hbm>>) target_semaphore(%arg11 : memref<!tpu.dma_semaphore, #tpu.memory_space<semaphore_mem>>)
      %add3A_136 = arith.constant 560 : i32
      %add3A_137 = arith.addi %mul3A_10, %add3A_136 : i32
      %dma_wait3A_138 = arith.constant 0 : i32
      %dma_wait3A_139 = tpu.memref_slice %arg4[%sub3A_131, %dma_wait3A_138] : memref<320000x128xf32, #tpu.memory_space<hbm>> -> memref<80x64xf32, #tpu.memory_space<hbm>>
      %dma_wait3A_140 = arith.constant 0 : i32
      %dma_wait3A_141 = tpu.memref_slice %arg4[%sub3A_131, %dma_wait3A_140] : memref<320000x128xf32, #tpu.memory_space<hbm>> -> memref<80x64xf32, #tpu.memory_space<hbm>>
      tpu.wait_dma2 semaphore(%arg11 : memref<!tpu.dma_semaphore, #tpu.memory_space<semaphore_mem>>) src(%arg7 : memref<80x64xf32, #tpu.memory_space<vmem>>) dst(%dma_wait3A_141 : memref<80x64xf32, #tpu.memory_space<hbm>>)
      %dma_start3A_142 = tpu.memref_slice %arg5[%add3A_137] : memref<10000xi32, #tpu.memory_space<vmem>> -> memref<80xi32, #tpu.memory_space<vmem>>
      %dma_start3A_143 = arith.constant 0 : i32
      %dma_start3A_144 = arith.constant 0 : i32
      %dma_start3A_145 = tpu.memref_slice %arg2[%dma_start3A_143, %dma_start3A_144] : memref<10000x64xf32, #tpu.memory_space<hbm>> -> memref<10000x64xf32, #tpu.memory_space<hbm>>
      tpu.enqueue_indirect_dma source(%dma_start3A_145 : memref<10000x64xf32, #tpu.memory_space<hbm>>) target(%arg7 : memref<80x64xf32, #tpu.memory_space<vmem>>) offsets(%dma_start3A_142 : memref<80xi32, #tpu.memory_space<vmem>>) semaphore(%arg9 : memref<!tpu.dma_semaphore, #tpu.memory_space<semaphore_mem>>)
      %dma_wait3A_146 = tpu.memref_slice %arg5[%add3A_116] : memref<10000xi32, #tpu.memory_space<vmem>> -> memref<80xi32, #tpu.memory_space<vmem>>
      %dma_wait3A_147 = arith.constant 0 : i32
      %dma_wait3A_148 = arith.constant 0 : i32
      %dma_wait3A_149 = tpu.memref_slice %arg2[%dma_wait3A_147, %dma_wait3A_148] : memref<10000x64xf32, #tpu.memory_space<hbm>> -> memref<10000x64xf32, #tpu.memory_space<hbm>>
      tpu.wait_indirect_dma semaphore(%arg8 : memref<!tpu.dma_semaphore, #tpu.memory_space<semaphore_mem>>) src(%dma_wait3A_149 : memref<10000x64xf32, #tpu.memory_space<hbm>>) dst(%arg6 : memref<80x64xf32, #tpu.memory_space<vmem>>)
      %add3A_150 = arith.addi %mul3A_2, %add3A_137 : i32
      %sub3A_151 = arith.constant 80 : i32
      %sub3A_152 = arith.subi %add3A_150, %sub3A_151 : i32
      %dma_start3A_153 = arith.constant 0 : i32
      %dma_start3A_154 = tpu.memref_slice %arg4[%sub3A_152, %dma_start3A_153] : memref<320000x128xf32, #tpu.memory_space<hbm>> -> memref<80x64xf32, #tpu.memory_space<hbm>>
      %dma_start3A_155 = arith.constant 0 : i32
      %dma_start3A_156 = tpu.memref_slice %arg4[%sub3A_152, %dma_start3A_155] : memref<320000x128xf32, #tpu.memory_space<hbm>> -> memref<80x64xf32, #tpu.memory_space<hbm>>
      tpu.enqueue_dma source(%arg6 : memref<80x64xf32, #tpu.memory_space<vmem>>) target(%dma_start3A_156 : memref<80x64xf32, #tpu.memory_space<hbm>>) target_semaphore(%arg10 : memref<!tpu.dma_semaphore, #tpu.memory_space<semaphore_mem>>)
      %add3A_157 = arith.constant 640 : i32
      %add3A_158 = arith.addi %mul3A_10, %add3A_157 : i32
      %dma_wait3A_159 = arith.constant 0 : i32
      %dma_wait3A_160 = tpu.memref_slice %arg4[%sub3A_152, %dma_wait3A_159] : memref<320000x128xf32, #tpu.memory_space<hbm>> -> memref<80x64xf32, #tpu.memory_space<hbm>>
      %dma_wait3A_161 = arith.constant 0 : i32
      %dma_wait3A_162 = tpu.memref_slice %arg4[%sub3A_152, %dma_wait3A_161] : memref<320000x128xf32, #tpu.memory_space<hbm>> -> memref<80x64xf32, #tpu.memory_space<hbm>>
      tpu.wait_dma2 semaphore(%arg10 : memref<!tpu.dma_semaphore, #tpu.memory_space<semaphore_mem>>) src(%arg6 : memref<80x64xf32, #tpu.memory_space<vmem>>) dst(%dma_wait3A_162 : memref<80x64xf32, #tpu.memory_space<hbm>>)
      %dma_start3A_163 = tpu.memref_slice %arg5[%add3A_158] : memref<10000xi32, #tpu.memory_space<vmem>> -> memref<80xi32, #tpu.memory_space<vmem>>
      %dma_start3A_164 = arith.constant 0 : i32
      %dma_start3A_165 = arith.constant 0 : i32
      %dma_start3A_166 = tpu.memref_slice %arg2[%dma_start3A_164, %dma_start3A_165] : memref<10000x64xf32, #tpu.memory_space<hbm>> -> memref<10000x64xf32, #tpu.memory_space<hbm>>
      tpu.enqueue_indirect_dma source(%dma_start3A_166 : memref<10000x64xf32, #tpu.memory_space<hbm>>) target(%arg6 : memref<80x64xf32, #tpu.memory_space<vmem>>) offsets(%dma_start3A_163 : memref<80xi32, #tpu.memory_space<vmem>>) semaphore(%arg8 : memref<!tpu.dma_semaphore, #tpu.memory_space<semaphore_mem>>)
      %dma_wait3A_167 = tpu.memref_slice %arg5[%add3A_137] : memref<10000xi32, #tpu.memory_space<vmem>> -> memref<80xi32, #tpu.memory_space<vmem>>
      %dma_wait3A_168 = arith.constant 0 : i32
      %dma_wait3A_169 = arith.constant 0 : i32
      %dma_wait3A_170 = tpu.memref_slice %arg2[%dma_wait3A_168, %dma_wait3A_169] : memref<10000x64xf32, #tpu.memory_space<hbm>> -> memref<10000x64xf32, #tpu.memory_space<hbm>>
      tpu.wait_indirect_dma semaphore(%arg9 : memref<!tpu.dma_semaphore, #tpu.memory_space<semaphore_mem>>) src(%dma_wait3A_170 : memref<10000x64xf32, #tpu.memory_space<hbm>>) dst(%arg7 : memref<80x64xf32, #tpu.memory_space<vmem>>)
      %add3A_171 = arith.addi %mul3A_2, %add3A_158 : i32
      %sub3A_172 = arith.constant 80 : i32
      %sub3A_173 = arith.subi %add3A_171, %sub3A_172 : i32
      %dma_start3A_174 = arith.constant 0 : i32
      %dma_start3A_175 = tpu.memref_slice %arg4[%sub3A_173, %dma_start3A_174] : memref<320000x128xf32, #tpu.memory_space<hbm>> -> memref<80x64xf32, #tpu.memory_space<hbm>>
      %dma_start3A_176 = arith.constant 0 : i32
      %dma_start3A_177 = tpu.memref_slice %arg4[%sub3A_173, %dma_start3A_176] : memref<320000x128xf32, #tpu.memory_space<hbm>> -> memref<80x64xf32, #tpu.memory_space<hbm>>
      tpu.enqueue_dma source(%arg7 : memref<80x64xf32, #tpu.memory_space<vmem>>) target(%dma_start3A_177 : memref<80x64xf32, #tpu.memory_space<hbm>>) target_semaphore(%arg11 : memref<!tpu.dma_semaphore, #tpu.memory_space<semaphore_mem>>)
      %add3A_178 = arith.constant 720 : i32
      %add3A_179 = arith.addi %mul3A_10, %add3A_178 : i32
      %dma_wait3A_180 = arith.constant 0 : i32
      %dma_wait3A_181 = tpu.memref_slice %arg4[%sub3A_173, %dma_wait3A_180] : memref<320000x128xf32, #tpu.memory_space<hbm>> -> memref<80x64xf32, #tpu.memory_space<hbm>>
      %dma_wait3A_182 = arith.constant 0 : i32
      %dma_wait3A_183 = tpu.memref_slice %arg4[%sub3A_173, %dma_wait3A_182] : memref<320000x128xf32, #tpu.memory_space<hbm>> -> memref<80x64xf32, #tpu.memory_space<hbm>>
      tpu.wait_dma2 semaphore(%arg11 : memref<!tpu.dma_semaphore, #tpu.memory_space<semaphore_mem>>) src(%arg7 : memref<80x64xf32, #tpu.memory_space<vmem>>) dst(%dma_wait3A_183 : memref<80x64xf32, #tpu.memory_space<hbm>>)
      %dma_start3A_184 = tpu.memref_slice %arg5[%add3A_179] : memref<10000xi32, #tpu.memory_space<vmem>> -> memref<80xi32, #tpu.memory_space<vmem>>
      %dma_start3A_185 = arith.constant 0 : i32
      %dma_start3A_186 = arith.constant 0 : i32
      %dma_start3A_187 = tpu.memref_slice %arg2[%dma_start3A_185, %dma_start3A_186] : memref<10000x64xf32, #tpu.memory_space<hbm>> -> memref<10000x64xf32, #tpu.memory_space<hbm>>
      tpu.enqueue_indirect_dma source(%dma_start3A_187 : memref<10000x64xf32, #tpu.memory_space<hbm>>) target(%arg7 : memref<80x64xf32, #tpu.memory_space<vmem>>) offsets(%dma_start3A_184 : memref<80xi32, #tpu.memory_space<vmem>>) semaphore(%arg9 : memref<!tpu.dma_semaphore, #tpu.memory_space<semaphore_mem>>)
      %dma_wait3A_188 = tpu.memref_slice %arg5[%add3A_158] : memref<10000xi32, #tpu.memory_space<vmem>> -> memref<80xi32, #tpu.memory_space<vmem>>
      %dma_wait3A_189 = arith.constant 0 : i32
      %dma_wait3A_190 = arith.constant 0 : i32
      %dma_wait3A_191 = tpu.memref_slice %arg2[%dma_wait3A_189, %dma_wait3A_190] : memref<10000x64xf32, #tpu.memory_space<hbm>> -> memref<10000x64xf32, #tpu.memory_space<hbm>>
      tpu.wait_indirect_dma semaphore(%arg8 : memref<!tpu.dma_semaphore, #tpu.memory_space<semaphore_mem>>) src(%dma_wait3A_191 : memref<10000x64xf32, #tpu.memory_space<hbm>>) dst(%arg6 : memref<80x64xf32, #tpu.memory_space<vmem>>)
      %add3A_192 = arith.addi %mul3A_2, %add3A_179 : i32
      %sub3A_193 = arith.constant 80 : i32
      %sub3A_194 = arith.subi %add3A_192, %sub3A_193 : i32
      %dma_start3A_195 = arith.constant 0 : i32
      %dma_start3A_196 = tpu.memref_slice %arg4[%sub3A_194, %dma_start3A_195] : memref<320000x128xf32, #tpu.memory_space<hbm>> -> memref<80x64xf32, #tpu.memory_space<hbm>>
      %dma_start3A_197 = arith.constant 0 : i32
      %dma_start3A_198 = tpu.memref_slice %arg4[%sub3A_194, %dma_start3A_197] : memref<320000x128xf32, #tpu.memory_space<hbm>> -> memref<80x64xf32, #tpu.memory_space<hbm>>
      tpu.enqueue_dma source(%arg6 : memref<80x64xf32, #tpu.memory_space<vmem>>) target(%dma_start3A_198 : memref<80x64xf32, #tpu.memory_space<hbm>>) target_semaphore(%arg10 : memref<!tpu.dma_semaphore, #tpu.memory_space<semaphore_mem>>)
      %add3A_199 = arith.constant 800 : i32
      %add3A_200 = arith.addi %mul3A_10, %add3A_199 : i32
      %dma_wait3A_201 = arith.constant 0 : i32
      %dma_wait3A_202 = tpu.memref_slice %arg4[%sub3A_194, %dma_wait3A_201] : memref<320000x128xf32, #tpu.memory_space<hbm>> -> memref<80x64xf32, #tpu.memory_space<hbm>>
      %dma_wait3A_203 = arith.constant 0 : i32
      %dma_wait3A_204 = tpu.memref_slice %arg4[%sub3A_194, %dma_wait3A_203] : memref<320000x128xf32, #tpu.memory_space<hbm>> -> memref<80x64xf32, #tpu.memory_space<hbm>>
      tpu.wait_dma2 semaphore(%arg10 : memref<!tpu.dma_semaphore, #tpu.memory_space<semaphore_mem>>) src(%arg6 : memref<80x64xf32, #tpu.memory_space<vmem>>) dst(%dma_wait3A_204 : memref<80x64xf32, #tpu.memory_space<hbm>>)
      %dma_start3A_205 = tpu.memref_slice %arg5[%add3A_200] : memref<10000xi32, #tpu.memory_space<vmem>> -> memref<80xi32, #tpu.memory_space<vmem>>
      %dma_start3A_206 = arith.constant 0 : i32
      %dma_start3A_207 = arith.constant 0 : i32
      %dma_start3A_208 = tpu.memref_slice %arg2[%dma_start3A_206, %dma_start3A_207] : memref<10000x64xf32, #tpu.memory_space<hbm>> -> memref<10000x64xf32, #tpu.memory_space<hbm>>
      tpu.enqueue_indirect_dma source(%dma_start3A_208 : memref<10000x64xf32, #tpu.memory_space<hbm>>) target(%arg6 : memref<80x64xf32, #tpu.memory_space<vmem>>) offsets(%dma_start3A_205 : memref<80xi32, #tpu.memory_space<vmem>>) semaphore(%arg8 : memref<!tpu.dma_semaphore, #tpu.memory_space<semaphore_mem>>)
      %dma_wait3A_209 = tpu.memref_slice %arg5[%add3A_179] : memref<10000xi32, #tpu.memory_space<vmem>> -> memref<80xi32, #tpu.memory_space<vmem>>
      %dma_wait3A_210 = arith.constant 0 : i32
      %dma_wait3A_211 = arith.constant 0 : i32
      %dma_wait3A_212 = tpu.memref_slice %arg2[%dma_wait3A_210, %dma_wait3A_211] : memref<10000x64xf32, #tpu.memory_space<hbm>> -> memref<10000x64xf32, #tpu.memory_space<hbm>>
      tpu.wait_indirect_dma semaphore(%arg9 : memref<!tpu.dma_semaphore, #tpu.memory_space<semaphore_mem>>) src(%dma_wait3A_212 : memref<10000x64xf32, #tpu.memory_space<hbm>>) dst(%arg7 : memref<80x64xf32, #tpu.memory_space<vmem>>)
      %add3A_213 = arith.addi %mul3A_2, %add3A_200 : i32
      %sub3A_214 = arith.constant 80 : i32
      %sub3A_215 = arith.subi %add3A_213, %sub3A_214 : i32
      %dma_start3A_216 = arith.constant 0 : i32
      %dma_start3A_217 = tpu.memref_slice %arg4[%sub3A_215, %dma_start3A_216] : memref<320000x128xf32, #tpu.memory_space<hbm>> -> memref<80x64xf32, #tpu.memory_space<hbm>>
      %dma_start3A_218 = arith.constant 0 : i32
      %dma_start3A_219 = tpu.memref_slice %arg4[%sub3A_215, %dma_start3A_218] : memref<320000x128xf32, #tpu.memory_space<hbm>> -> memref<80x64xf32, #tpu.memory_space<hbm>>
      tpu.enqueue_dma source(%arg7 : memref<80x64xf32, #tpu.memory_space<vmem>>) target(%dma_start3A_219 : memref<80x64xf32, #tpu.memory_space<hbm>>) target_semaphore(%arg11 : memref<!tpu.dma_semaphore, #tpu.memory_space<semaphore_mem>>)
      %add3A_220 = arith.constant 880 : i32
      %add3A_221 = arith.addi %mul3A_10, %add3A_220 : i32
      %dma_wait3A_222 = arith.constant 0 : i32
      %dma_wait3A_223 = tpu.memref_slice %arg4[%sub3A_215, %dma_wait3A_222] : memref<320000x128xf32, #tpu.memory_space<hbm>> -> memref<80x64xf32, #tpu.memory_space<hbm>>
      %dma_wait3A_224 = arith.constant 0 : i32
      %dma_wait3A_225 = tpu.memref_slice %arg4[%sub3A_215, %dma_wait3A_224] : memref<320000x128xf32, #tpu.memory_space<hbm>> -> memref<80x64xf32, #tpu.memory_space<hbm>>
      tpu.wait_dma2 semaphore(%arg11 : memref<!tpu.dma_semaphore, #tpu.memory_space<semaphore_mem>>) src(%arg7 : memref<80x64xf32, #tpu.memory_space<vmem>>) dst(%dma_wait3A_225 : memref<80x64xf32, #tpu.memory_space<hbm>>)
      %dma_start3A_226 = tpu.memref_slice %arg5[%add3A_221] : memref<10000xi32, #tpu.memory_space<vmem>> -> memref<80xi32, #tpu.memory_space<vmem>>
      %dma_start3A_227 = arith.constant 0 : i32
      %dma_start3A_228 = arith.constant 0 : i32
      %dma_start3A_229 = tpu.memref_slice %arg2[%dma_start3A_227, %dma_start3A_228] : memref<10000x64xf32, #tpu.memory_space<hbm>> -> memref<10000x64xf32, #tpu.memory_space<hbm>>
      tpu.enqueue_indirect_dma source(%dma_start3A_229 : memref<10000x64xf32, #tpu.memory_space<hbm>>) target(%arg7 : memref<80x64xf32, #tpu.memory_space<vmem>>) offsets(%dma_start3A_226 : memref<80xi32, #tpu.memory_space<vmem>>) semaphore(%arg9 : memref<!tpu.dma_semaphore, #tpu.memory_space<semaphore_mem>>)
      %dma_wait3A_230 = tpu.memref_slice %arg5[%add3A_200] : memref<10000xi32, #tpu.memory_space<vmem>> -> memref<80xi32, #tpu.memory_space<vmem>>
      %dma_wait3A_231 = arith.constant 0 : i32
      %dma_wait3A_232 = arith.constant 0 : i32
      %dma_wait3A_233 = tpu.memref_slice %arg2[%dma_wait3A_231, %dma_wait3A_232] : memref<10000x64xf32, #tpu.memory_space<hbm>> -> memref<10000x64xf32, #tpu.memory_space<hbm>>
      tpu.wait_indirect_dma semaphore(%arg8 : memref<!tpu.dma_semaphore, #tpu.memory_space<semaphore_mem>>) src(%dma_wait3A_233 : memref<10000x64xf32, #tpu.memory_space<hbm>>) dst(%arg6 : memref<80x64xf32, #tpu.memory_space<vmem>>)
      %add3A_234 = arith.addi %mul3A_2, %add3A_221 : i32
      %sub3A_235 = arith.constant 80 : i32
      %sub3A_236 = arith.subi %add3A_234, %sub3A_235 : i32
      %dma_start3A_237 = arith.constant 0 : i32
      %dma_start3A_238 = tpu.memref_slice %arg4[%sub3A_236, %dma_start3A_237] : memref<320000x128xf32, #tpu.memory_space<hbm>> -> memref<80x64xf32, #tpu.memory_space<hbm>>
      %dma_start3A_239 = arith.constant 0 : i32
      %dma_start3A_240 = tpu.memref_slice %arg4[%sub3A_236, %dma_start3A_239] : memref<320000x128xf32, #tpu.memory_space<hbm>> -> memref<80x64xf32, #tpu.memory_space<hbm>>
      tpu.enqueue_dma source(%arg6 : memref<80x64xf32, #tpu.memory_space<vmem>>) target(%dma_start3A_240 : memref<80x64xf32, #tpu.memory_space<hbm>>) target_semaphore(%arg10 : memref<!tpu.dma_semaphore, #tpu.memory_space<semaphore_mem>>)
      %add3A_241 = arith.constant 960 : i32
      %add3A_242 = arith.addi %mul3A_10, %add3A_241 : i32
      %dma_wait3A_243 = arith.constant 0 : i32
      %dma_wait3A_244 = tpu.memref_slice %arg4[%sub3A_236, %dma_wait3A_243] : memref<320000x128xf32, #tpu.memory_space<hbm>> -> memref<80x64xf32, #tpu.memory_space<hbm>>
      %dma_wait3A_245 = arith.constant 0 : i32
      %dma_wait3A_246 = tpu.memref_slice %arg4[%sub3A_236, %dma_wait3A_245] : memref<320000x128xf32, #tpu.memory_space<hbm>> -> memref<80x64xf32, #tpu.memory_space<hbm>>
      tpu.wait_dma2 semaphore(%arg10 : memref<!tpu.dma_semaphore, #tpu.memory_space<semaphore_mem>>) src(%arg6 : memref<80x64xf32, #tpu.memory_space<vmem>>) dst(%dma_wait3A_246 : memref<80x64xf32, #tpu.memory_space<hbm>>)
      %dma_start3A_247 = tpu.memref_slice %arg5[%add3A_242] : memref<10000xi32, #tpu.memory_space<vmem>> -> memref<80xi32, #tpu.memory_space<vmem>>
      %dma_start3A_248 = arith.constant 0 : i32
      %dma_start3A_249 = arith.constant 0 : i32
      %dma_start3A_250 = tpu.memref_slice %arg2[%dma_start3A_248, %dma_start3A_249] : memref<10000x64xf32, #tpu.memory_space<hbm>> -> memref<10000x64xf32, #tpu.memory_space<hbm>>
      tpu.enqueue_indirect_dma source(%dma_start3A_250 : memref<10000x64xf32, #tpu.memory_space<hbm>>) target(%arg6 : memref<80x64xf32, #tpu.memory_space<vmem>>) offsets(%dma_start3A_247 : memref<80xi32, #tpu.memory_space<vmem>>) semaphore(%arg8 : memref<!tpu.dma_semaphore, #tpu.memory_space<semaphore_mem>>)
      %dma_wait3A_251 = tpu.memref_slice %arg5[%add3A_221] : memref<10000xi32, #tpu.memory_space<vmem>> -> memref<80xi32, #tpu.memory_space<vmem>>
      %dma_wait3A_252 = arith.constant 0 : i32
      %dma_wait3A_253 = arith.constant 0 : i32
      %dma_wait3A_254 = tpu.memref_slice %arg2[%dma_wait3A_252, %dma_wait3A_253] : memref<10000x64xf32, #tpu.memory_space<hbm>> -> memref<10000x64xf32, #tpu.memory_space<hbm>>
      tpu.wait_indirect_dma semaphore(%arg9 : memref<!tpu.dma_semaphore, #tpu.memory_space<semaphore_mem>>) src(%dma_wait3A_254 : memref<10000x64xf32, #tpu.memory_space<hbm>>) dst(%arg7 : memref<80x64xf32, #tpu.memory_space<vmem>>)
      %add3A_255 = arith.addi %mul3A_2, %add3A_242 : i32
      %sub3A_256 = arith.constant 80 : i32
      %sub3A_257 = arith.subi %add3A_255, %sub3A_256 : i32
      %dma_start3A_258 = arith.constant 0 : i32
      %dma_start3A_259 = tpu.memref_slice %arg4[%sub3A_257, %dma_start3A_258] : memref<320000x128xf32, #tpu.memory_space<hbm>> -> memref<80x64xf32, #tpu.memory_space<hbm>>
      %dma_start3A_260 = arith.constant 0 : i32
      %dma_start3A_261 = tpu.memref_slice %arg4[%sub3A_257, %dma_start3A_260] : memref<320000x128xf32, #tpu.memory_space<hbm>> -> memref<80x64xf32, #tpu.memory_space<hbm>>
      tpu.enqueue_dma source(%arg7 : memref<80x64xf32, #tpu.memory_space<vmem>>) target(%dma_start3A_261 : memref<80x64xf32, #tpu.memory_space<hbm>>) target_semaphore(%arg11 : memref<!tpu.dma_semaphore, #tpu.memory_space<semaphore_mem>>)
      %add3A_262 = arith.constant 1040 : i32
      %add3A_263 = arith.addi %mul3A_10, %add3A_262 : i32
      %dma_wait3A_264 = arith.constant 0 : i32
      %dma_wait3A_265 = tpu.memref_slice %arg4[%sub3A_257, %dma_wait3A_264] : memref<320000x128xf32, #tpu.memory_space<hbm>> -> memref<80x64xf32, #tpu.memory_space<hbm>>
      %dma_wait3A_266 = arith.constant 0 : i32
      %dma_wait3A_267 = tpu.memref_slice %arg4[%sub3A_257, %dma_wait3A_266] : memref<320000x128xf32, #tpu.memory_space<hbm>> -> memref<80x64xf32, #tpu.memory_space<hbm>>
      tpu.wait_dma2 semaphore(%arg11 : memref<!tpu.dma_semaphore, #tpu.memory_space<semaphore_mem>>) src(%arg7 : memref<80x64xf32, #tpu.memory_space<vmem>>) dst(%dma_wait3A_267 : memref<80x64xf32, #tpu.memory_space<hbm>>)
      %dma_start3A_268 = tpu.memref_slice %arg5[%add3A_263] : memref<10000xi32, #tpu.memory_space<vmem>> -> memref<80xi32, #tpu.memory_space<vmem>>
      %dma_start3A_269 = arith.constant 0 : i32
      %dma_start3A_270 = arith.constant 0 : i32
      %dma_start3A_271 = tpu.memref_slice %arg2[%dma_start3A_269, %dma_start3A_270] : memref<10000x64xf32, #tpu.memory_space<hbm>> -> memref<10000x64xf32, #tpu.memory_space<hbm>>
      tpu.enqueue_indirect_dma source(%dma_start3A_271 : memref<10000x64xf32, #tpu.memory_space<hbm>>) target(%arg7 : memref<80x64xf32, #tpu.memory_space<vmem>>) offsets(%dma_start3A_268 : memref<80xi32, #tpu.memory_space<vmem>>) semaphore(%arg9 : memref<!tpu.dma_semaphore, #tpu.memory_space<semaphore_mem>>)
      %dma_wait3A_272 = tpu.memref_slice %arg5[%add3A_242] : memref<10000xi32, #tpu.memory_space<vmem>> -> memref<80xi32, #tpu.memory_space<vmem>>
      %dma_wait3A_273 = arith.constant 0 : i32
      %dma_wait3A_274 = arith.constant 0 : i32
      %dma_wait3A_275 = tpu.memref_slice %arg2[%dma_wait3A_273, %dma_wait3A_274] : memref<10000x64xf32, #tpu.memory_space<hbm>> -> memref<10000x64xf32, #tpu.memory_space<hbm>>
      tpu.wait_indirect_dma semaphore(%arg8 : memref<!tpu.dma_semaphore, #tpu.memory_space<semaphore_mem>>) src(%dma_wait3A_275 : memref<10000x64xf32, #tpu.memory_space<hbm>>) dst(%arg6 : memref<80x64xf32, #tpu.memory_space<vmem>>)
      %add3A_276 = arith.addi %mul3A_2, %add3A_263 : i32
      %sub3A_277 = arith.constant 80 : i32
      %sub3A_278 = arith.subi %add3A_276, %sub3A_277 : i32
      %dma_start3A_279 = arith.constant 0 : i32
      %dma_start3A_280 = tpu.memref_slice %arg4[%sub3A_278, %dma_start3A_279] : memref<320000x128xf32, #tpu.memory_space<hbm>> -> memref<80x64xf32, #tpu.memory_space<hbm>>
      %dma_start3A_281 = arith.constant 0 : i32
      %dma_start3A_282 = tpu.memref_slice %arg4[%sub3A_278, %dma_start3A_281] : memref<320000x128xf32, #tpu.memory_space<hbm>> -> memref<80x64xf32, #tpu.memory_space<hbm>>
      tpu.enqueue_dma source(%arg6 : memref<80x64xf32, #tpu.memory_space<vmem>>) target(%dma_start3A_282 : memref<80x64xf32, #tpu.memory_space<hbm>>) target_semaphore(%arg10 : memref<!tpu.dma_semaphore, #tpu.memory_space<semaphore_mem>>)
      %add3A_283 = arith.constant 1120 : i32
      %add3A_284 = arith.addi %mul3A_10, %add3A_283 : i32
      %dma_wait3A_285 = arith.constant 0 : i32
      %dma_wait3A_286 = tpu.memref_slice %arg4[%sub3A_278, %dma_wait3A_285] : memref<320000x128xf32, #tpu.memory_space<hbm>> -> memref<80x64xf32, #tpu.memory_space<hbm>>
      %dma_wait3A_287 = arith.constant 0 : i32
      %dma_wait3A_288 = tpu.memref_slice %arg4[%sub3A_278, %dma_wait3A_287] : memref<320000x128xf32, #tpu.memory_space<hbm>> -> memref<80x64xf32, #tpu.memory_space<hbm>>
      tpu.wait_dma2 semaphore(%arg10 : memref<!tpu.dma_semaphore, #tpu.memory_space<semaphore_mem>>) src(%arg6 : memref<80x64xf32, #tpu.memory_space<vmem>>) dst(%dma_wait3A_288 : memref<80x64xf32, #tpu.memory_space<hbm>>)
      %dma_start3A_289 = tpu.memref_slice %arg5[%add3A_284] : memref<10000xi32, #tpu.memory_space<vmem>> -> memref<80xi32, #tpu.memory_space<vmem>>
      %dma_start3A_290 = arith.constant 0 : i32
      %dma_start3A_291 = arith.constant 0 : i32
      %dma_start3A_292 = tpu.memref_slice %arg2[%dma_start3A_290, %dma_start3A_291] : memref<10000x64xf32, #tpu.memory_space<hbm>> -> memref<10000x64xf32, #tpu.memory_space<hbm>>
      tpu.enqueue_indirect_dma source(%dma_start3A_292 : memref<10000x64xf32, #tpu.memory_space<hbm>>) target(%arg6 : memref<80x64xf32, #tpu.memory_space<vmem>>) offsets(%dma_start3A_289 : memref<80xi32, #tpu.memory_space<vmem>>) semaphore(%arg8 : memref<!tpu.dma_semaphore, #tpu.memory_space<semaphore_mem>>)
      %dma_wait3A_293 = tpu.memref_slice %arg5[%add3A_263] : memref<10000xi32, #tpu.memory_space<vmem>> -> memref<80xi32, #tpu.memory_space<vmem>>
      %dma_wait3A_294 = arith.constant 0 : i32
      %dma_wait3A_295 = arith.constant 0 : i32
      %dma_wait3A_296 = tpu.memref_slice %arg2[%dma_wait3A_294, %dma_wait3A_295] : memref<10000x64xf32, #tpu.memory_space<hbm>> -> memref<10000x64xf32, #tpu.memory_space<hbm>>
      tpu.wait_indirect_dma semaphore(%arg9 : memref<!tpu.dma_semaphore, #tpu.memory_space<semaphore_mem>>) src(%dma_wait3A_296 : memref<10000x64xf32, #tpu.memory_space<hbm>>) dst(%arg7 : memref<80x64xf32, #tpu.memory_space<vmem>>)
      %add3A_297 = arith.addi %mul3A_2, %add3A_284 : i32
      %sub3A_298 = arith.constant 80 : i32
      %sub3A_299 = arith.subi %add3A_297, %sub3A_298 : i32
      %dma_start3A_300 = arith.constant 0 : i32
      %dma_start3A_301 = tpu.memref_slice %arg4[%sub3A_299, %dma_start3A_300] : memref<320000x128xf32, #tpu.memory_space<hbm>> -> memref<80x64xf32, #tpu.memory_space<hbm>>
      %dma_start3A_302 = arith.constant 0 : i32
      %dma_start3A_303 = tpu.memref_slice %arg4[%sub3A_299, %dma_start3A_302] : memref<320000x128xf32, #tpu.memory_space<hbm>> -> memref<80x64xf32, #tpu.memory_space<hbm>>
      tpu.enqueue_dma source(%arg7 : memref<80x64xf32, #tpu.memory_space<vmem>>) target(%dma_start3A_303 : memref<80x64xf32, #tpu.memory_space<hbm>>) target_semaphore(%arg11 : memref<!tpu.dma_semaphore, #tpu.memory_space<semaphore_mem>>)
      %add3A_304 = arith.constant 1200 : i32
      %add3A_305 = arith.addi %mul3A_10, %add3A_304 : i32
      %dma_wait3A_306 = arith.constant 0 : i32
      %dma_wait3A_307 = tpu.memref_slice %arg4[%sub3A_299, %dma_wait3A_306] : memref<320000x128xf32, #tpu.memory_space<hbm>> -> memref<80x64xf32, #tpu.memory_space<hbm>>
      %dma_wait3A_308 = arith.constant 0 : i32
      %dma_wait3A_309 = tpu.memref_slice %arg4[%sub3A_299, %dma_wait3A_308] : memref<320000x128xf32, #tpu.memory_space<hbm>> -> memref<80x64xf32, #tpu.memory_space<hbm>>
      tpu.wait_dma2 semaphore(%arg11 : memref<!tpu.dma_semaphore, #tpu.memory_space<semaphore_mem>>) src(%arg7 : memref<80x64xf32, #tpu.memory_space<vmem>>) dst(%dma_wait3A_309 : memref<80x64xf32, #tpu.memory_space<hbm>>)
      %dma_start3A_310 = tpu.memref_slice %arg5[%add3A_305] : memref<10000xi32, #tpu.memory_space<vmem>> -> memref<80xi32, #tpu.memory_space<vmem>>
      %dma_start3A_311 = arith.constant 0 : i32
      %dma_start3A_312 = arith.constant 0 : i32
      %dma_start3A_313 = tpu.memref_slice %arg2[%dma_start3A_311, %dma_start3A_312] : memref<10000x64xf32, #tpu.memory_space<hbm>> -> memref<10000x64xf32, #tpu.memory_space<hbm>>
      tpu.enqueue_indirect_dma source(%dma_start3A_313 : memref<10000x64xf32, #tpu.memory_space<hbm>>) target(%arg7 : memref<80x64xf32, #tpu.memory_space<vmem>>) offsets(%dma_start3A_310 : memref<80xi32, #tpu.memory_space<vmem>>) semaphore(%arg9 : memref<!tpu.dma_semaphore, #tpu.memory_space<semaphore_mem>>)
      %dma_wait3A_314 = tpu.memref_slice %arg5[%add3A_284] : memref<10000xi32, #tpu.memory_space<vmem>> -> memref<80xi32, #tpu.memory_space<vmem>>
      %dma_wait3A_315 = arith.constant 0 : i32
      %dma_wait3A_316 = arith.constant 0 : i32
      %dma_wait3A_317 = tpu.memref_slice %arg2[%dma_wait3A_315, %dma_wait3A_316] : memref<10000x64xf32, #tpu.memory_space<hbm>> -> memref<10000x64xf32, #tpu.memory_space<hbm>>
      tpu.wait_indirect_dma semaphore(%arg8 : memref<!tpu.dma_semaphore, #tpu.memory_space<semaphore_mem>>) src(%dma_wait3A_317 : memref<10000x64xf32, #tpu.memory_space<hbm>>) dst(%arg6 : memref<80x64xf32, #tpu.memory_space<vmem>>)
      %add3A_318 = arith.addi %mul3A_2, %add3A_305 : i32
      %sub3A_319 = arith.constant 80 : i32
      %sub3A_320 = arith.subi %add3A_318, %sub3A_319 : i32
      %dma_start3A_321 = arith.constant 0 : i32
      %dma_start3A_322 = tpu.memref_slice %arg4[%sub3A_320, %dma_start3A_321] : memref<320000x128xf32, #tpu.memory_space<hbm>> -> memref<80x64xf32, #tpu.memory_space<hbm>>
      %dma_start3A_323 = arith.constant 0 : i32
      %dma_start3A_324 = tpu.memref_slice %arg4[%sub3A_320, %dma_start3A_323] : memref<320000x128xf32, #tpu.memory_space<hbm>> -> memref<80x64xf32, #tpu.memory_space<hbm>>
      tpu.enqueue_dma source(%arg6 : memref<80x64xf32, #tpu.memory_space<vmem>>) target(%dma_start3A_324 : memref<80x64xf32, #tpu.memory_space<hbm>>) target_semaphore(%arg10 : memref<!tpu.dma_semaphore, #tpu.memory_space<semaphore_mem>>)
      %add3A_325 = arith.constant 1280 : i32
      %add3A_326 = arith.addi %mul3A_10, %add3A_325 : i32
      %dma_wait3A_327 = arith.constant 0 : i32
      %dma_wait3A_328 = tpu.memref_slice %arg4[%sub3A_320, %dma_wait3A_327] : memref<320000x128xf32, #tpu.memory_space<hbm>> -> memref<80x64xf32, #tpu.memory_space<hbm>>
      %dma_wait3A_329 = arith.constant 0 : i32
      %dma_wait3A_330 = tpu.memref_slice %arg4[%sub3A_320, %dma_wait3A_329] : memref<320000x128xf32, #tpu.memory_space<hbm>> -> memref<80x64xf32, #tpu.memory_space<hbm>>
      tpu.wait_dma2 semaphore(%arg10 : memref<!tpu.dma_semaphore, #tpu.memory_space<semaphore_mem>>) src(%arg6 : memref<80x64xf32, #tpu.memory_space<vmem>>) dst(%dma_wait3A_330 : memref<80x64xf32, #tpu.memory_space<hbm>>)
      %dma_start3A_331 = tpu.memref_slice %arg5[%add3A_326] : memref<10000xi32, #tpu.memory_space<vmem>> -> memref<80xi32, #tpu.memory_space<vmem>>
      %dma_start3A_332 = arith.constant 0 : i32
      %dma_start3A_333 = arith.constant 0 : i32
      %dma_start3A_334 = tpu.memref_slice %arg2[%dma_start3A_332, %dma_start3A_333] : memref<10000x64xf32, #tpu.memory_space<hbm>> -> memref<10000x64xf32, #tpu.memory_space<hbm>>
      tpu.enqueue_indirect_dma source(%dma_start3A_334 : memref<10000x64xf32, #tpu.memory_space<hbm>>) target(%arg6 : memref<80x64xf32, #tpu.memory_space<vmem>>) offsets(%dma_start3A_331 : memref<80xi32, #tpu.memory_space<vmem>>) semaphore(%arg8 : memref<!tpu.dma_semaphore, #tpu.memory_space<semaphore_mem>>)
      %dma_wait3A_335 = tpu.memref_slice %arg5[%add3A_305] : memref<10000xi32, #tpu.memory_space<vmem>> -> memref<80xi32, #tpu.memory_space<vmem>>
      %dma_wait3A_336 = arith.constant 0 : i32
      %dma_wait3A_337 = arith.constant 0 : i32
      %dma_wait3A_338 = tpu.memref_slice %arg2[%dma_wait3A_336, %dma_wait3A_337] : memref<10000x64xf32, #tpu.memory_space<hbm>> -> memref<10000x64xf32, #tpu.memory_space<hbm>>
      tpu.wait_indirect_dma semaphore(%arg9 : memref<!tpu.dma_semaphore, #tpu.memory_space<semaphore_mem>>) src(%dma_wait3A_338 : memref<10000x64xf32, #tpu.memory_space<hbm>>) dst(%arg7 : memref<80x64xf32, #tpu.memory_space<vmem>>)
      %add3A_339 = arith.addi %mul3A_2, %add3A_326 : i32
      %sub3A_340 = arith.constant 80 : i32
      %sub3A_341 = arith.subi %add3A_339, %sub3A_340 : i32
      %dma_start3A_342 = arith.constant 0 : i32
      %dma_start3A_343 = tpu.memref_slice %arg4[%sub3A_341, %dma_start3A_342] : memref<320000x128xf32, #tpu.memory_space<hbm>> -> memref<80x64xf32, #tpu.memory_space<hbm>>
      %dma_start3A_344 = arith.constant 0 : i32
      %dma_start3A_345 = tpu.memref_slice %arg4[%sub3A_341, %dma_start3A_344] : memref<320000x128xf32, #tpu.memory_space<hbm>> -> memref<80x64xf32, #tpu.memory_space<hbm>>
      tpu.enqueue_dma source(%arg7 : memref<80x64xf32, #tpu.memory_space<vmem>>) target(%dma_start3A_345 : memref<80x64xf32, #tpu.memory_space<hbm>>) target_semaphore(%arg11 : memref<!tpu.dma_semaphore, #tpu.memory_space<semaphore_mem>>)
      %add3A_346 = arith.constant 1360 : i32
      %add3A_347 = arith.addi %mul3A_10, %add3A_346 : i32
      %dma_wait3A_348 = arith.constant 0 : i32
      %dma_wait3A_349 = tpu.memref_slice %arg4[%sub3A_341, %dma_wait3A_348] : memref<320000x128xf32, #tpu.memory_space<hbm>> -> memref<80x64xf32, #tpu.memory_space<hbm>>
      %dma_wait3A_350 = arith.constant 0 : i32
      %dma_wait3A_351 = tpu.memref_slice %arg4[%sub3A_341, %dma_wait3A_350] : memref<320000x128xf32, #tpu.memory_space<hbm>> -> memref<80x64xf32, #tpu.memory_space<hbm>>
      tpu.wait_dma2 semaphore(%arg11 : memref<!tpu.dma_semaphore, #tpu.memory_space<semaphore_mem>>) src(%arg7 : memref<80x64xf32, #tpu.memory_space<vmem>>) dst(%dma_wait3A_351 : memref<80x64xf32, #tpu.memory_space<hbm>>)
      %dma_start3A_352 = tpu.memref_slice %arg5[%add3A_347] : memref<10000xi32, #tpu.memory_space<vmem>> -> memref<80xi32, #tpu.memory_space<vmem>>
      %dma_start3A_353 = arith.constant 0 : i32
      %dma_start3A_354 = arith.constant 0 : i32
      %dma_start3A_355 = tpu.memref_slice %arg2[%dma_start3A_353, %dma_start3A_354] : memref<10000x64xf32, #tpu.memory_space<hbm>> -> memref<10000x64xf32, #tpu.memory_space<hbm>>
      tpu.enqueue_indirect_dma source(%dma_start3A_355 : memref<10000x64xf32, #tpu.memory_space<hbm>>) target(%arg7 : memref<80x64xf32, #tpu.memory_space<vmem>>) offsets(%dma_start3A_352 : memref<80xi32, #tpu.memory_space<vmem>>) semaphore(%arg9 : memref<!tpu.dma_semaphore, #tpu.memory_space<semaphore_mem>>)
      %dma_wait3A_356 = tpu.memref_slice %arg5[%add3A_326] : memref<10000xi32, #tpu.memory_space<vmem>> -> memref<80xi32, #tpu.memory_space<vmem>>
      %dma_wait3A_357 = arith.constant 0 : i32
      %dma_wait3A_358 = arith.constant 0 : i32
      %dma_wait3A_359 = tpu.memref_slice %arg2[%dma_wait3A_357, %dma_wait3A_358] : memref<10000x64xf32, #tpu.memory_space<hbm>> -> memref<10000x64xf32, #tpu.memory_space<hbm>>
      tpu.wait_indirect_dma semaphore(%arg8 : memref<!tpu.dma_semaphore, #tpu.memory_space<semaphore_mem>>) src(%dma_wait3A_359 : memref<10000x64xf32, #tpu.memory_space<hbm>>) dst(%arg6 : memref<80x64xf32, #tpu.memory_space<vmem>>)
      %add3A_360 = arith.addi %mul3A_2, %add3A_347 : i32
      %sub3A_361 = arith.constant 80 : i32
      %sub3A_362 = arith.subi %add3A_360, %sub3A_361 : i32
      %dma_start3A_363 = arith.constant 0 : i32
      %dma_start3A_364 = tpu.memref_slice %arg4[%sub3A_362, %dma_start3A_363] : memref<320000x128xf32, #tpu.memory_space<hbm>> -> memref<80x64xf32, #tpu.memory_space<hbm>>
      %dma_start3A_365 = arith.constant 0 : i32
      %dma_start3A_366 = tpu.memref_slice %arg4[%sub3A_362, %dma_start3A_365] : memref<320000x128xf32, #tpu.memory_space<hbm>> -> memref<80x64xf32, #tpu.memory_space<hbm>>
      tpu.enqueue_dma source(%arg6 : memref<80x64xf32, #tpu.memory_space<vmem>>) target(%dma_start3A_366 : memref<80x64xf32, #tpu.memory_space<hbm>>) target_semaphore(%arg10 : memref<!tpu.dma_semaphore, #tpu.memory_space<semaphore_mem>>)
      %add3A_367 = arith.constant 1440 : i32
      %add3A_368 = arith.addi %mul3A_10, %add3A_367 : i32
      %dma_wait3A_369 = arith.constant 0 : i32
      %dma_wait3A_370 = tpu.memref_slice %arg4[%sub3A_362, %dma_wait3A_369] : memref<320000x128xf32, #tpu.memory_space<hbm>> -> memref<80x64xf32, #tpu.memory_space<hbm>>
      %dma_wait3A_371 = arith.constant 0 : i32
      %dma_wait3A_372 = tpu.memref_slice %arg4[%sub3A_362, %dma_wait3A_371] : memref<320000x128xf32, #tpu.memory_space<hbm>> -> memref<80x64xf32, #tpu.memory_space<hbm>>
      tpu.wait_dma2 semaphore(%arg10 : memref<!tpu.dma_semaphore, #tpu.memory_space<semaphore_mem>>) src(%arg6 : memref<80x64xf32, #tpu.memory_space<vmem>>) dst(%dma_wait3A_372 : memref<80x64xf32, #tpu.memory_space<hbm>>)
      %dma_start3A_373 = tpu.memref_slice %arg5[%add3A_368] : memref<10000xi32, #tpu.memory_space<vmem>> -> memref<80xi32, #tpu.memory_space<vmem>>
      %dma_start3A_374 = arith.constant 0 : i32
      %dma_start3A_375 = arith.constant 0 : i32
      %dma_start3A_376 = tpu.memref_slice %arg2[%dma_start3A_374, %dma_start3A_375] : memref<10000x64xf32, #tpu.memory_space<hbm>> -> memref<10000x64xf32, #tpu.memory_space<hbm>>
      tpu.enqueue_indirect_dma source(%dma_start3A_376 : memref<10000x64xf32, #tpu.memory_space<hbm>>) target(%arg6 : memref<80x64xf32, #tpu.memory_space<vmem>>) offsets(%dma_start3A_373 : memref<80xi32, #tpu.memory_space<vmem>>) semaphore(%arg8 : memref<!tpu.dma_semaphore, #tpu.memory_space<semaphore_mem>>)
      %dma_wait3A_377 = tpu.memref_slice %arg5[%add3A_347] : memref<10000xi32, #tpu.memory_space<vmem>> -> memref<80xi32, #tpu.memory_space<vmem>>
      %dma_wait3A_378 = arith.constant 0 : i32
      %dma_wait3A_379 = arith.constant 0 : i32
      %dma_wait3A_380 = tpu.memref_slice %arg2[%dma_wait3A_378, %dma_wait3A_379] : memref<10000x64xf32, #tpu.memory_space<hbm>> -> memref<10000x64xf32, #tpu.memory_space<hbm>>
      tpu.wait_indirect_dma semaphore(%arg9 : memref<!tpu.dma_semaphore, #tpu.memory_space<semaphore_mem>>) src(%dma_wait3A_380 : memref<10000x64xf32, #tpu.memory_space<hbm>>) dst(%arg7 : memref<80x64xf32, #tpu.memory_space<vmem>>)
      %add3A_381 = arith.addi %mul3A_2, %add3A_368 : i32
      %sub3A_382 = arith.constant 80 : i32
      %sub3A_383 = arith.subi %add3A_381, %sub3A_382 : i32
      %dma_start3A_384 = arith.constant 0 : i32
      %dma_start3A_385 = tpu.memref_slice %arg4[%sub3A_383, %dma_start3A_384] : memref<320000x128xf32, #tpu.memory_space<hbm>> -> memref<80x64xf32, #tpu.memory_space<hbm>>
      %dma_start3A_386 = arith.constant 0 : i32
      %dma_start3A_387 = tpu.memref_slice %arg4[%sub3A_383, %dma_start3A_386] : memref<320000x128xf32, #tpu.memory_space<hbm>> -> memref<80x64xf32, #tpu.memory_space<hbm>>
      tpu.enqueue_dma source(%arg7 : memref<80x64xf32, #tpu.memory_space<vmem>>) target(%dma_start3A_387 : memref<80x64xf32, #tpu.memory_space<hbm>>) target_semaphore(%arg11 : memref<!tpu.dma_semaphore, #tpu.memory_space<semaphore_mem>>)
      %add3A_388 = arith.constant 1520 : i32
      %add3A_389 = arith.addi %mul3A_10, %add3A_388 : i32
      %dma_wait3A_390 = arith.constant 0 : i32
      %dma_wait3A_391 = tpu.memref_slice %arg4[%sub3A_383, %dma_wait3A_390] : memref<320000x128xf32, #tpu.memory_space<hbm>> -> memref<80x64xf32, #tpu.memory_space<hbm>>
      %dma_wait3A_392 = arith.constant 0 : i32
      %dma_wait3A_393 = tpu.memref_slice %arg4[%sub3A_383, %dma_wait3A_392] : memref<320000x128xf32, #tpu.memory_space<hbm>> -> memref<80x64xf32, #tpu.memory_space<hbm>>
      tpu.wait_dma2 semaphore(%arg11 : memref<!tpu.dma_semaphore, #tpu.memory_space<semaphore_mem>>) src(%arg7 : memref<80x64xf32, #tpu.memory_space<vmem>>) dst(%dma_wait3A_393 : memref<80x64xf32, #tpu.memory_space<hbm>>)
      %dma_start3A_394 = tpu.memref_slice %arg5[%add3A_389] : memref<10000xi32, #tpu.memory_space<vmem>> -> memref<80xi32, #tpu.memory_space<vmem>>
      %dma_start3A_395 = arith.constant 0 : i32
      %dma_start3A_396 = arith.constant 0 : i32
      %dma_start3A_397 = tpu.memref_slice %arg2[%dma_start3A_395, %dma_start3A_396] : memref<10000x64xf32, #tpu.memory_space<hbm>> -> memref<10000x64xf32, #tpu.memory_space<hbm>>
      tpu.enqueue_indirect_dma source(%dma_start3A_397 : memref<10000x64xf32, #tpu.memory_space<hbm>>) target(%arg7 : memref<80x64xf32, #tpu.memory_space<vmem>>) offsets(%dma_start3A_394 : memref<80xi32, #tpu.memory_space<vmem>>) semaphore(%arg9 : memref<!tpu.dma_semaphore, #tpu.memory_space<semaphore_mem>>)
      %dma_wait3A_398 = tpu.memref_slice %arg5[%add3A_368] : memref<10000xi32, #tpu.memory_space<vmem>> -> memref<80xi32, #tpu.memory_space<vmem>>
      %dma_wait3A_399 = arith.constant 0 : i32
      %dma_wait3A_400 = arith.constant 0 : i32
      %dma_wait3A_401 = tpu.memref_slice %arg2[%dma_wait3A_399, %dma_wait3A_400] : memref<10000x64xf32, #tpu.memory_space<hbm>> -> memref<10000x64xf32, #tpu.memory_space<hbm>>
      tpu.wait_indirect_dma semaphore(%arg8 : memref<!tpu.dma_semaphore, #tpu.memory_space<semaphore_mem>>) src(%dma_wait3A_401 : memref<10000x64xf32, #tpu.memory_space<hbm>>) dst(%arg6 : memref<80x64xf32, #tpu.memory_space<vmem>>)
      %add3A_402 = arith.addi %mul3A_2, %add3A_389 : i32
      %sub3A_403 = arith.constant 80 : i32
      %sub3A_404 = arith.subi %add3A_402, %sub3A_403 : i32
      %dma_start3A_405 = arith.constant 0 : i32
      %dma_start3A_406 = tpu.memref_slice %arg4[%sub3A_404, %dma_start3A_405] : memref<320000x128xf32, #tpu.memory_space<hbm>> -> memref<80x64xf32, #tpu.memory_space<hbm>>
      %dma_start3A_407 = arith.constant 0 : i32
      %dma_start3A_408 = tpu.memref_slice %arg4[%sub3A_404, %dma_start3A_407] : memref<320000x128xf32, #tpu.memory_space<hbm>> -> memref<80x64xf32, #tpu.memory_space<hbm>>
      tpu.enqueue_dma source(%arg6 : memref<80x64xf32, #tpu.memory_space<vmem>>) target(%dma_start3A_408 : memref<80x64xf32, #tpu.memory_space<hbm>>) target_semaphore(%arg10 : memref<!tpu.dma_semaphore, #tpu.memory_space<semaphore_mem>>)
      %add3A_409 = arith.constant 1600 : i32
      %add3A_410 = arith.addi %mul3A_10, %add3A_409 : i32
      %dma_wait3A_411 = arith.constant 0 : i32
      %dma_wait3A_412 = tpu.memref_slice %arg4[%sub3A_404, %dma_wait3A_411] : memref<320000x128xf32, #tpu.memory_space<hbm>> -> memref<80x64xf32, #tpu.memory_space<hbm>>
      %dma_wait3A_413 = arith.constant 0 : i32
      %dma_wait3A_414 = tpu.memref_slice %arg4[%sub3A_404, %dma_wait3A_413] : memref<320000x128xf32, #tpu.memory_space<hbm>> -> memref<80x64xf32, #tpu.memory_space<hbm>>
      tpu.wait_dma2 semaphore(%arg10 : memref<!tpu.dma_semaphore, #tpu.memory_space<semaphore_mem>>) src(%arg6 : memref<80x64xf32, #tpu.memory_space<vmem>>) dst(%dma_wait3A_414 : memref<80x64xf32, #tpu.memory_space<hbm>>)
      %dma_start3A_415 = tpu.memref_slice %arg5[%add3A_410] : memref<10000xi32, #tpu.memory_space<vmem>> -> memref<80xi32, #tpu.memory_space<vmem>>
      %dma_start3A_416 = arith.constant 0 : i32
      %dma_start3A_417 = arith.constant 0 : i32
      %dma_start3A_418 = tpu.memref_slice %arg2[%dma_start3A_416, %dma_start3A_417] : memref<10000x64xf32, #tpu.memory_space<hbm>> -> memref<10000x64xf32, #tpu.memory_space<hbm>>
      tpu.enqueue_indirect_dma source(%dma_start3A_418 : memref<10000x64xf32, #tpu.memory_space<hbm>>) target(%arg6 : memref<80x64xf32, #tpu.memory_space<vmem>>) offsets(%dma_start3A_415 : memref<80xi32, #tpu.memory_space<vmem>>) semaphore(%arg8 : memref<!tpu.dma_semaphore, #tpu.memory_space<semaphore_mem>>)
      %dma_wait3A_419 = tpu.memref_slice %arg5[%add3A_389] : memref<10000xi32, #tpu.memory_space<vmem>> -> memref<80xi32, #tpu.memory_space<vmem>>
      %dma_wait3A_420 = arith.constant 0 : i32
      %dma_wait3A_421 = arith.constant 0 : i32
      %dma_wait3A_422 = tpu.memref_slice %arg2[%dma_wait3A_420, %dma_wait3A_421] : memref<10000x64xf32, #tpu.memory_space<hbm>> -> memref<10000x64xf32, #tpu.memory_space<hbm>>
      tpu.wait_indirect_dma semaphore(%arg9 : memref<!tpu.dma_semaphore, #tpu.memory_space<semaphore_mem>>) src(%dma_wait3A_422 : memref<10000x64xf32, #tpu.memory_space<hbm>>) dst(%arg7 : memref<80x64xf32, #tpu.memory_space<vmem>>)
      %add3A_423 = arith.addi %mul3A_2, %add3A_410 : i32
      %sub3A_424 = arith.constant 80 : i32
      %sub3A_425 = arith.subi %add3A_423, %sub3A_424 : i32
      %dma_start3A_426 = arith.constant 0 : i32
      %dma_start3A_427 = tpu.memref_slice %arg4[%sub3A_425, %dma_start3A_426] : memref<320000x128xf32, #tpu.memory_space<hbm>> -> memref<80x64xf32, #tpu.memory_space<hbm>>
      %dma_start3A_428 = arith.constant 0 : i32
      %dma_start3A_429 = tpu.memref_slice %arg4[%sub3A_425, %dma_start3A_428] : memref<320000x128xf32, #tpu.memory_space<hbm>> -> memref<80x64xf32, #tpu.memory_space<hbm>>
      tpu.enqueue_dma source(%arg7 : memref<80x64xf32, #tpu.memory_space<vmem>>) target(%dma_start3A_429 : memref<80x64xf32, #tpu.memory_space<hbm>>) target_semaphore(%arg11 : memref<!tpu.dma_semaphore, #tpu.memory_space<semaphore_mem>>)
      %add3A_430 = arith.constant 1680 : i32
      %add3A_431 = arith.addi %mul3A_10, %add3A_430 : i32
      %dma_wait3A_432 = arith.constant 0 : i32
      %dma_wait3A_433 = tpu.memref_slice %arg4[%sub3A_425, %dma_wait3A_432] : memref<320000x128xf32, #tpu.memory_space<hbm>> -> memref<80x64xf32, #tpu.memory_space<hbm>>
      %dma_wait3A_434 = arith.constant 0 : i32
      %dma_wait3A_435 = tpu.memref_slice %arg4[%sub3A_425, %dma_wait3A_434] : memref<320000x128xf32, #tpu.memory_space<hbm>> -> memref<80x64xf32, #tpu.memory_space<hbm>>
      tpu.wait_dma2 semaphore(%arg11 : memref<!tpu.dma_semaphore, #tpu.memory_space<semaphore_mem>>) src(%arg7 : memref<80x64xf32, #tpu.memory_space<vmem>>) dst(%dma_wait3A_435 : memref<80x64xf32, #tpu.memory_space<hbm>>)
      %dma_start3A_436 = tpu.memref_slice %arg5[%add3A_431] : memref<10000xi32, #tpu.memory_space<vmem>> -> memref<80xi32, #tpu.memory_space<vmem>>
      %dma_start3A_437 = arith.constant 0 : i32
      %dma_start3A_438 = arith.constant 0 : i32
      %dma_start3A_439 = tpu.memref_slice %arg2[%dma_start3A_437, %dma_start3A_438] : memref<10000x64xf32, #tpu.memory_space<hbm>> -> memref<10000x64xf32, #tpu.memory_space<hbm>>
      tpu.enqueue_indirect_dma source(%dma_start3A_439 : memref<10000x64xf32, #tpu.memory_space<hbm>>) target(%arg7 : memref<80x64xf32, #tpu.memory_space<vmem>>) offsets(%dma_start3A_436 : memref<80xi32, #tpu.memory_space<vmem>>) semaphore(%arg9 : memref<!tpu.dma_semaphore, #tpu.memory_space<semaphore_mem>>)
      %dma_wait3A_440 = tpu.memref_slice %arg5[%add3A_410] : memref<10000xi32, #tpu.memory_space<vmem>> -> memref<80xi32, #tpu.memory_space<vmem>>
      %dma_wait3A_441 = arith.constant 0 : i32
      %dma_wait3A_442 = arith.constant 0 : i32
      %dma_wait3A_443 = tpu.memref_slice %arg2[%dma_wait3A_441, %dma_wait3A_442] : memref<10000x64xf32, #tpu.memory_space<hbm>> -> memref<10000x64xf32, #tpu.memory_space<hbm>>
      tpu.wait_indirect_dma semaphore(%arg8 : memref<!tpu.dma_semaphore, #tpu.memory_space<semaphore_mem>>) src(%dma_wait3A_443 : memref<10000x64xf32, #tpu.memory_space<hbm>>) dst(%arg6 : memref<80x64xf32, #tpu.memory_space<vmem>>)
      %add3A_444 = arith.addi %mul3A_2, %add3A_431 : i32
      %sub3A_445 = arith.constant 80 : i32
      %sub3A_446 = arith.subi %add3A_444, %sub3A_445 : i32
      %dma_start3A_447 = arith.constant 0 : i32
      %dma_start3A_448 = tpu.memref_slice %arg4[%sub3A_446, %dma_start3A_447] : memref<320000x128xf32, #tpu.memory_space<hbm>> -> memref<80x64xf32, #tpu.memory_space<hbm>>
      %dma_start3A_449 = arith.constant 0 : i32
      %dma_start3A_450 = tpu.memref_slice %arg4[%sub3A_446, %dma_start3A_449] : memref<320000x128xf32, #tpu.memory_space<hbm>> -> memref<80x64xf32, #tpu.memory_space<hbm>>
      tpu.enqueue_dma source(%arg6 : memref<80x64xf32, #tpu.memory_space<vmem>>) target(%dma_start3A_450 : memref<80x64xf32, #tpu.memory_space<hbm>>) target_semaphore(%arg10 : memref<!tpu.dma_semaphore, #tpu.memory_space<semaphore_mem>>)
      %add3A_451 = arith.constant 1760 : i32
      %add3A_452 = arith.addi %mul3A_10, %add3A_451 : i32
      %dma_wait3A_453 = arith.constant 0 : i32
      %dma_wait3A_454 = tpu.memref_slice %arg4[%sub3A_446, %dma_wait3A_453] : memref<320000x128xf32, #tpu.memory_space<hbm>> -> memref<80x64xf32, #tpu.memory_space<hbm>>
      %dma_wait3A_455 = arith.constant 0 : i32
      %dma_wait3A_456 = tpu.memref_slice %arg4[%sub3A_446, %dma_wait3A_455] : memref<320000x128xf32, #tpu.memory_space<hbm>> -> memref<80x64xf32, #tpu.memory_space<hbm>>
      tpu.wait_dma2 semaphore(%arg10 : memref<!tpu.dma_semaphore, #tpu.memory_space<semaphore_mem>>) src(%arg6 : memref<80x64xf32, #tpu.memory_space<vmem>>) dst(%dma_wait3A_456 : memref<80x64xf32, #tpu.memory_space<hbm>>)
      %dma_start3A_457 = tpu.memref_slice %arg5[%add3A_452] : memref<10000xi32, #tpu.memory_space<vmem>> -> memref<80xi32, #tpu.memory_space<vmem>>
      %dma_start3A_458 = arith.constant 0 : i32
      %dma_start3A_459 = arith.constant 0 : i32
      %dma_start3A_460 = tpu.memref_slice %arg2[%dma_start3A_458, %dma_start3A_459] : memref<10000x64xf32, #tpu.memory_space<hbm>> -> memref<10000x64xf32, #tpu.memory_space<hbm>>
      tpu.enqueue_indirect_dma source(%dma_start3A_460 : memref<10000x64xf32, #tpu.memory_space<hbm>>) target(%arg6 : memref<80x64xf32, #tpu.memory_space<vmem>>) offsets(%dma_start3A_457 : memref<80xi32, #tpu.memory_space<vmem>>) semaphore(%arg8 : memref<!tpu.dma_semaphore, #tpu.memory_space<semaphore_mem>>)
      %dma_wait3A_461 = tpu.memref_slice %arg5[%add3A_431] : memref<10000xi32, #tpu.memory_space<vmem>> -> memref<80xi32, #tpu.memory_space<vmem>>
      %dma_wait3A_462 = arith.constant 0 : i32
      %dma_wait3A_463 = arith.constant 0 : i32
      %dma_wait3A_464 = tpu.memref_slice %arg2[%dma_wait3A_462, %dma_wait3A_463] : memref<10000x64xf32, #tpu.memory_space<hbm>> -> memref<10000x64xf32, #tpu.memory_space<hbm>>
      tpu.wait_indirect_dma semaphore(%arg9 : memref<!tpu.dma_semaphore, #tpu.memory_space<semaphore_mem>>) src(%dma_wait3A_464 : memref<10000x64xf32, #tpu.memory_space<hbm>>) dst(%arg7 : memref<80x64xf32, #tpu.memory_space<vmem>>)
      %add3A_465 = arith.addi %mul3A_2, %add3A_452 : i32
      %sub3A_466 = arith.constant 80 : i32
      %sub3A_467 = arith.subi %add3A_465, %sub3A_466 : i32
      %dma_start3A_468 = arith.constant 0 : i32
      %dma_start3A_469 = tpu.memref_slice %arg4[%sub3A_467, %dma_start3A_468] : memref<320000x128xf32, #tpu.memory_space<hbm>> -> memref<80x64xf32, #tpu.memory_space<hbm>>
      %dma_start3A_470 = arith.constant 0 : i32
      %dma_start3A_471 = tpu.memref_slice %arg4[%sub3A_467, %dma_start3A_470] : memref<320000x128xf32, #tpu.memory_space<hbm>> -> memref<80x64xf32, #tpu.memory_space<hbm>>
      tpu.enqueue_dma source(%arg7 : memref<80x64xf32, #tpu.memory_space<vmem>>) target(%dma_start3A_471 : memref<80x64xf32, #tpu.memory_space<hbm>>) target_semaphore(%arg11 : memref<!tpu.dma_semaphore, #tpu.memory_space<semaphore_mem>>)
      %add3A_472 = arith.constant 1840 : i32
      %add3A_473 = arith.addi %mul3A_10, %add3A_472 : i32
      %dma_wait3A_474 = arith.constant 0 : i32
      %dma_wait3A_475 = tpu.memref_slice %arg4[%sub3A_467, %dma_wait3A_474] : memref<320000x128xf32, #tpu.memory_space<hbm>> -> memref<80x64xf32, #tpu.memory_space<hbm>>
      %dma_wait3A_476 = arith.constant 0 : i32
      %dma_wait3A_477 = tpu.memref_slice %arg4[%sub3A_467, %dma_wait3A_476] : memref<320000x128xf32, #tpu.memory_space<hbm>> -> memref<80x64xf32, #tpu.memory_space<hbm>>
      tpu.wait_dma2 semaphore(%arg11 : memref<!tpu.dma_semaphore, #tpu.memory_space<semaphore_mem>>) src(%arg7 : memref<80x64xf32, #tpu.memory_space<vmem>>) dst(%dma_wait3A_477 : memref<80x64xf32, #tpu.memory_space<hbm>>)
      %dma_start3A_478 = tpu.memref_slice %arg5[%add3A_473] : memref<10000xi32, #tpu.memory_space<vmem>> -> memref<80xi32, #tpu.memory_space<vmem>>
      %dma_start3A_479 = arith.constant 0 : i32
      %dma_start3A_480 = arith.constant 0 : i32
      %dma_start3A_481 = tpu.memref_slice %arg2[%dma_start3A_479, %dma_start3A_480] : memref<10000x64xf32, #tpu.memory_space<hbm>> -> memref<10000x64xf32, #tpu.memory_space<hbm>>
      tpu.enqueue_indirect_dma source(%dma_start3A_481 : memref<10000x64xf32, #tpu.memory_space<hbm>>) target(%arg7 : memref<80x64xf32, #tpu.memory_space<vmem>>) offsets(%dma_start3A_478 : memref<80xi32, #tpu.memory_space<vmem>>) semaphore(%arg9 : memref<!tpu.dma_semaphore, #tpu.memory_space<semaphore_mem>>)
      %dma_wait3A_482 = tpu.memref_slice %arg5[%add3A_452] : memref<10000xi32, #tpu.memory_space<vmem>> -> memref<80xi32, #tpu.memory_space<vmem>>
      %dma_wait3A_483 = arith.constant 0 : i32
      %dma_wait3A_484 = arith.constant 0 : i32
      %dma_wait3A_485 = tpu.memref_slice %arg2[%dma_wait3A_483, %dma_wait3A_484] : memref<10000x64xf32, #tpu.memory_space<hbm>> -> memref<10000x64xf32, #tpu.memory_space<hbm>>
      tpu.wait_indirect_dma semaphore(%arg8 : memref<!tpu.dma_semaphore, #tpu.memory_space<semaphore_mem>>) src(%dma_wait3A_485 : memref<10000x64xf32, #tpu.memory_space<hbm>>) dst(%arg6 : memref<80x64xf32, #tpu.memory_space<vmem>>)
      %add3A_486 = arith.addi %mul3A_2, %add3A_473 : i32
      %sub3A_487 = arith.constant 80 : i32
      %sub3A_488 = arith.subi %add3A_486, %sub3A_487 : i32
      %dma_start3A_489 = arith.constant 0 : i32
      %dma_start3A_490 = tpu.memref_slice %arg4[%sub3A_488, %dma_start3A_489] : memref<320000x128xf32, #tpu.memory_space<hbm>> -> memref<80x64xf32, #tpu.memory_space<hbm>>
      %dma_start3A_491 = arith.constant 0 : i32
      %dma_start3A_492 = tpu.memref_slice %arg4[%sub3A_488, %dma_start3A_491] : memref<320000x128xf32, #tpu.memory_space<hbm>> -> memref<80x64xf32, #tpu.memory_space<hbm>>
      tpu.enqueue_dma source(%arg6 : memref<80x64xf32, #tpu.memory_space<vmem>>) target(%dma_start3A_492 : memref<80x64xf32, #tpu.memory_space<hbm>>) target_semaphore(%arg10 : memref<!tpu.dma_semaphore, #tpu.memory_space<semaphore_mem>>)
      %add3A_493 = arith.constant 1920 : i32
      %add3A_494 = arith.addi %mul3A_10, %add3A_493 : i32
      %dma_wait3A_495 = arith.constant 0 : i32
      %dma_wait3A_496 = tpu.memref_slice %arg4[%sub3A_488, %dma_wait3A_495] : memref<320000x128xf32, #tpu.memory_space<hbm>> -> memref<80x64xf32, #tpu.memory_space<hbm>>
      %dma_wait3A_497 = arith.constant 0 : i32
      %dma_wait3A_498 = tpu.memref_slice %arg4[%sub3A_488, %dma_wait3A_497] : memref<320000x128xf32, #tpu.memory_space<hbm>> -> memref<80x64xf32, #tpu.memory_space<hbm>>
      tpu.wait_dma2 semaphore(%arg10 : memref<!tpu.dma_semaphore, #tpu.memory_space<semaphore_mem>>) src(%arg6 : memref<80x64xf32, #tpu.memory_space<vmem>>) dst(%dma_wait3A_498 : memref<80x64xf32, #tpu.memory_space<hbm>>)
      %dma_start3A_499 = tpu.memref_slice %arg5[%add3A_494] : memref<10000xi32, #tpu.memory_space<vmem>> -> memref<80xi32, #tpu.memory_space<vmem>>
      %dma_start3A_500 = arith.constant 0 : i32
      %dma_start3A_501 = arith.constant 0 : i32
      %dma_start3A_502 = tpu.memref_slice %arg2[%dma_start3A_500, %dma_start3A_501] : memref<10000x64xf32, #tpu.memory_space<hbm>> -> memref<10000x64xf32, #tpu.memory_space<hbm>>
      tpu.enqueue_indirect_dma source(%dma_start3A_502 : memref<10000x64xf32, #tpu.memory_space<hbm>>) target(%arg6 : memref<80x64xf32, #tpu.memory_space<vmem>>) offsets(%dma_start3A_499 : memref<80xi32, #tpu.memory_space<vmem>>) semaphore(%arg8 : memref<!tpu.dma_semaphore, #tpu.memory_space<semaphore_mem>>)
      %dma_wait3A_503 = tpu.memref_slice %arg5[%add3A_473] : memref<10000xi32, #tpu.memory_space<vmem>> -> memref<80xi32, #tpu.memory_space<vmem>>
      %dma_wait3A_504 = arith.constant 0 : i32
      %dma_wait3A_505 = arith.constant 0 : i32
      %dma_wait3A_506 = tpu.memref_slice %arg2[%dma_wait3A_504, %dma_wait3A_505] : memref<10000x64xf32, #tpu.memory_space<hbm>> -> memref<10000x64xf32, #tpu.memory_space<hbm>>
      tpu.wait_indirect_dma semaphore(%arg9 : memref<!tpu.dma_semaphore, #tpu.memory_space<semaphore_mem>>) src(%dma_wait3A_506 : memref<10000x64xf32, #tpu.memory_space<hbm>>) dst(%arg7 : memref<80x64xf32, #tpu.memory_space<vmem>>)
      %add3A_507 = arith.addi %mul3A_2, %add3A_494 : i32
      %sub3A_508 = arith.constant 80 : i32
      %sub3A_509 = arith.subi %add3A_507, %sub3A_508 : i32
      %dma_start3A_510 = arith.constant 0 : i32
      %dma_start3A_511 = tpu.memref_slice %arg4[%sub3A_509, %dma_start3A_510] : memref<320000x128xf32, #tpu.memory_space<hbm>> -> memref<80x64xf32, #tpu.memory_space<hbm>>
      %dma_start3A_512 = arith.constant 0 : i32
      %dma_start3A_513 = tpu.memref_slice %arg4[%sub3A_509, %dma_start3A_512] : memref<320000x128xf32, #tpu.memory_space<hbm>> -> memref<80x64xf32, #tpu.memory_space<hbm>>
      tpu.enqueue_dma source(%arg7 : memref<80x64xf32, #tpu.memory_space<vmem>>) target(%dma_start3A_513 : memref<80x64xf32, #tpu.memory_space<hbm>>) target_semaphore(%arg11 : memref<!tpu.dma_semaphore, #tpu.memory_space<semaphore_mem>>)
      %dma_wait3A_514 = tpu.memref_slice %arg5[%add3A_494] : memref<10000xi32, #tpu.memory_space<vmem>> -> memref<80xi32, #tpu.memory_space<vmem>>
      %dma_wait3A_515 = arith.constant 0 : i32
      %dma_wait3A_516 = arith.constant 0 : i32
      %dma_wait3A_517 = tpu.memref_slice %arg2[%dma_wait3A_515, %dma_wait3A_516] : memref<10000x64xf32, #tpu.memory_space<hbm>> -> memref<10000x64xf32, #tpu.memory_space<hbm>>
      tpu.wait_indirect_dma semaphore(%arg8 : memref<!tpu.dma_semaphore, #tpu.memory_space<semaphore_mem>>) src(%dma_wait3A_517 : memref<10000x64xf32, #tpu.memory_space<hbm>>) dst(%arg6 : memref<80x64xf32, #tpu.memory_space<vmem>>)
      %add3A_518 = arith.addi %mul3A_2, %mul3A_10 : i32
      %add3A_519 = arith.constant 1920 : i32
      %add3A_520 = arith.addi %add3A_518, %add3A_519 : i32
      %dma_start3A_521 = arith.constant 0 : i32
      %dma_start3A_522 = tpu.memref_slice %arg4[%add3A_520, %dma_start3A_521] : memref<320000x128xf32, #tpu.memory_space<hbm>> -> memref<80x64xf32, #tpu.memory_space<hbm>>
      %dma_start3A_523 = arith.constant 0 : i32
      %dma_start3A_524 = tpu.memref_slice %arg4[%add3A_520, %dma_start3A_523] : memref<320000x128xf32, #tpu.memory_space<hbm>> -> memref<80x64xf32, #tpu.memory_space<hbm>>
      tpu.enqueue_dma source(%arg6 : memref<80x64xf32, #tpu.memory_space<vmem>>) target(%dma_start3A_524 : memref<80x64xf32, #tpu.memory_space<hbm>>) target_semaphore(%arg10 : memref<!tpu.dma_semaphore, #tpu.memory_space<semaphore_mem>>)
      %dma_wait3A_525 = arith.constant 0 : i32
      %dma_wait3A_526 = tpu.memref_slice %arg4[%add3A_520, %dma_wait3A_525] : memref<320000x128xf32, #tpu.memory_space<hbm>> -> memref<80x64xf32, #tpu.memory_space<hbm>>
      %dma_wait3A_527 = arith.constant 0 : i32
      %dma_wait3A_528 = tpu.memref_slice %arg4[%add3A_520, %dma_wait3A_527] : memref<320000x128xf32, #tpu.memory_space<hbm>> -> memref<80x64xf32, #tpu.memory_space<hbm>>
      tpu.wait_dma2 semaphore(%arg10 : memref<!tpu.dma_semaphore, #tpu.memory_space<semaphore_mem>>) src(%arg6 : memref<80x64xf32, #tpu.memory_space<vmem>>) dst(%dma_wait3A_528 : memref<80x64xf32, #tpu.memory_space<hbm>>)
      %dma_wait3A_529 = arith.constant 0 : i32
      %dma_wait3A_530 = tpu.memref_slice %arg4[%sub3A_509, %dma_wait3A_529] : memref<320000x128xf32, #tpu.memory_space<hbm>> -> memref<80x64xf32, #tpu.memory_space<hbm>>
      %dma_wait3A_531 = arith.constant 0 : i32
      %dma_wait3A_532 = tpu.memref_slice %arg4[%sub3A_509, %dma_wait3A_531] : memref<320000x128xf32, #tpu.memory_space<hbm>> -> memref<80x64xf32, #tpu.memory_space<hbm>>
      tpu.wait_dma2 semaphore(%arg11 : memref<!tpu.dma_semaphore, #tpu.memory_space<semaphore_mem>>) src(%arg7 : memref<80x64xf32, #tpu.memory_space<vmem>>) dst(%dma_wait3A_532 : memref<80x64xf32, #tpu.memory_space<hbm>>)
    }
    %scan3A_7 = arith.constant 5 : i32
    return
  }
}

module attributes {stable_mosaic.version = 14 : i64} {
  func.func @_tc_body(%arg0: i32, %arg1: memref<6400x256xf32, #tpu.memory_space<vmem>>, %arg2: memref<819200xf32, #tpu.memory_space<vmem>>, %arg3: memref<6400x64xf32, #tpu.memory_space<vmem>>, %arg4: memref<200x32xf32, #tpu.memory_space<vmem>>, %arg5: memref<256x128xf32, #tpu.memory_space<vmem>>, %arg6: memref<1x128xf32, #tpu.memory_space<vmem>>, %arg7: memref<128x64xf32, #tpu.memory_space<vmem>>, %arg8: memref<1x64xf32, #tpu.memory_space<vmem>>, %arg9: memref<64x64xf32, #tpu.memory_space<vmem>>, %arg10: memref<1x64xf32, #tpu.memory_space<vmem>>, %arg11: memref<64x64xf32, #tpu.memory_space<vmem>>, %arg12: memref<1x64xf32, #tpu.memory_space<vmem>>, %arg13: memref<200x64xf32, #tpu.memory_space<vmem>>) attributes {dimension_semantics = [#tpu.dimension_semantics<arbitrary>], iteration_bounds = array<i64: 50>, scalar_prefetch = 0 : i64, scratch_operands = 0 : i64, tpu.core_type = #tpu.core_type<tc>, window_params = [{transform_indices = @transform_0, window_bounds = array<i64: 6400, 256>}, {transform_indices = @transform_1, window_bounds = array<i64: 819200>}, {transform_indices = @transform_2, window_bounds = array<i64: 6400, 64>}, {transform_indices = @transform_3, window_bounds = array<i64: 200, 32>}, {pipeline_mode = #tpu.pipeline_mode<synchronous>, transform_indices = @transform_4, window_bounds = array<i64: 256, 128>}, {pipeline_mode = #tpu.pipeline_mode<synchronous>, transform_indices = @transform_5, window_bounds = array<i64: 1, 128>}, {pipeline_mode = #tpu.pipeline_mode<synchronous>, transform_indices = @transform_6, window_bounds = array<i64: 128, 64>}, {pipeline_mode = #tpu.pipeline_mode<synchronous>, transform_indices = @transform_7, window_bounds = array<i64: 1, 64>}, {pipeline_mode = #tpu.pipeline_mode<synchronous>, transform_indices = @transform_8, window_bounds = array<i64: 64, 64>}, {pipeline_mode = #tpu.pipeline_mode<synchronous>, transform_indices = @transform_9, window_bounds = array<i64: 1, 64>}, {pipeline_mode = #tpu.pipeline_mode<synchronous>, transform_indices = @transform_10, window_bounds = array<i64: 64, 64>}, {pipeline_mode = #tpu.pipeline_mode<synchronous>, transform_indices = @transform_11, window_bounds = array<i64: 1, 64>}, {transform_indices = @transform_12, window_bounds = array<i64: 200, 64>}]} {
    %get3A = arith.constant 0 : index
    %get3A_0 = arith.constant 0 : index
    %get3A_1 = vector.load %arg1[%get3A, %get3A_0] : memref<6400x256xf32, #tpu.memory_space<vmem>>, vector<6400x256xf32>
    %get3A_2 = arith.constant 0 : index
    %get3A_3 = arith.constant 0 : index
    %get3A_4 = vector.load %arg5[%get3A_2, %get3A_3] : memref<256x128xf32, #tpu.memory_space<vmem>>, vector<256x128xf32>
    %dot_general3A = arith.constant dense<0.000000e+00> : vector<6400x128xf32>
    %dot_general3A_5 = tpu.matmul %get3A_1, %get3A_4, %dot_general3A {dimension_numbers = #tpu.dot_dimension_numbers<[1], [0], [0], [1], [0, 0, 1, 1], [], []>, transpose_lhs_hint = false} : vector<6400x256xf32>, vector<256x128xf32>, vector<6400x128xf32> -> vector<6400x128xf32>
    %get3A_6 = arith.constant 0 : index
    %get3A_7 = arith.constant 0 : index
    %get3A_8 = vector.load %arg6[%get3A_6, %get3A_7] : memref<1x128xf32, #tpu.memory_space<vmem>>, vector<1x128xf32>
    %add3A = vector.broadcast %get3A_8 : vector<1x128xf32> to vector<6400x128xf32>
    %add3A_9 = arith.addf %dot_general3A_5, %add3A : vector<6400x128xf32>
    %max3A = arith.constant 0.000000e+00 : f32
    %max3A_10 = vector.broadcast %max3A : f32 to vector<6400x128xf32>
    %max3A_11 = arith.maximumf %add3A_9, %max3A_10 : vector<6400x128xf32>
    %abs3A = math.absf %add3A_9 : vector<6400x128xf32>
    %neg3A = arith.constant 0.000000e+00 : f32
    %neg3A_12 = vector.broadcast %neg3A : f32 to vector<6400x128xf32>
    %neg3A_13 = arith.subf %neg3A_12, %abs3A : vector<6400x128xf32>
    %exp3A = math.exp %neg3A_13 : vector<6400x128xf32>
    %log1p3A = math.log1p %exp3A : vector<6400x128xf32>
    %add3A_14 = arith.addf %max3A_11, %log1p3A : vector<6400x128xf32>
    %sub3A = arith.constant 0.693147182 : f32
    %sub3A_15 = vector.broadcast %sub3A : f32 to vector<6400x128xf32>
    %sub3A_16 = arith.subf %add3A_14, %sub3A_15 : vector<6400x128xf32>
    %get3A_17 = arith.constant 0 : index
    %get3A_18 = arith.constant 0 : index
    %get3A_19 = vector.load %arg7[%get3A_17, %get3A_18] : memref<128x64xf32, #tpu.memory_space<vmem>>, vector<128x64xf32>
    %dot_general3A_20 = arith.constant dense<0.000000e+00> : vector<6400x64xf32>
    %dot_general3A_21 = tpu.matmul %sub3A_16, %get3A_19, %dot_general3A_20 {dimension_numbers = #tpu.dot_dimension_numbers<[1], [0], [0], [1], [0, 0, 1, 1], [], []>, transpose_lhs_hint = false} : vector<6400x128xf32>, vector<128x64xf32>, vector<6400x64xf32> -> vector<6400x64xf32>
    %get3A_22 = arith.constant 0 : index
    %get3A_23 = arith.constant 0 : index
    %get3A_24 = vector.load %arg8[%get3A_22, %get3A_23] : memref<1x64xf32, #tpu.memory_space<vmem>>, vector<1x64xf32>
    %add3A_25 = vector.broadcast %get3A_24 : vector<1x64xf32> to vector<6400x64xf32>
    %add3A_26 = arith.addf %dot_general3A_21, %add3A_25 : vector<6400x64xf32>
    %max3A_27 = arith.constant 0.000000e+00 : f32
    %max3A_28 = vector.broadcast %max3A_27 : f32 to vector<6400x64xf32>
    %max3A_29 = arith.maximumf %add3A_26, %max3A_28 : vector<6400x64xf32>
    %abs3A_30 = math.absf %add3A_26 : vector<6400x64xf32>
    %neg3A_31 = arith.constant 0.000000e+00 : f32
    %neg3A_32 = vector.broadcast %neg3A_31 : f32 to vector<6400x64xf32>
    %neg3A_33 = arith.subf %neg3A_32, %abs3A_30 : vector<6400x64xf32>
    %exp3A_34 = math.exp %neg3A_33 : vector<6400x64xf32>
    %log1p3A_35 = math.log1p %exp3A_34 : vector<6400x64xf32>
    %add3A_36 = arith.addf %max3A_29, %log1p3A_35 : vector<6400x64xf32>
    %sub3A_37 = arith.constant 0.693147182 : f32
    %sub3A_38 = vector.broadcast %sub3A_37 : f32 to vector<6400x64xf32>
    %sub3A_39 = arith.subf %add3A_36, %sub3A_38 : vector<6400x64xf32>
    %get3A_40 = arith.constant 0 : index
    %get3A_41 = vector.load %arg2[%get3A_40] : memref<819200xf32, #tpu.memory_space<vmem>>, vector<819200xf32>
    %reshape3A = vector.shape_cast %get3A_41 : vector<819200xf32> to vector<6400x128xf32>
    %slice3A = vector.extract_strided_slice %reshape3A {offsets = [0, 0], sizes = [6400, 64], strides = [1, 1]} : vector<6400x128xf32> to vector<6400x64xf32>
    %mul3A = arith.mulf %sub3A_39, %slice3A : vector<6400x64xf32>
    %get3A_42 = arith.constant 0 : index
    %get3A_43 = arith.constant 0 : index
    %get3A_44 = vector.load %arg3[%get3A_42, %get3A_43] : memref<6400x64xf32, #tpu.memory_space<vmem>>, vector<6400x64xf32>
    %mul3A_45 = arith.mulf %mul3A, %get3A_44 : vector<6400x64xf32>
    %reshape3A_46 = vector.shape_cast %mul3A_45 : vector<6400x64xf32> to vector<200x32x64xf32>
    %get3A_47 = arith.constant 0 : index
    %get3A_48 = arith.constant 0 : index
    %get3A_49 = vector.load %arg4[%get3A_47, %get3A_48] : memref<200x32xf32, #tpu.memory_space<vmem>>, vector<200x32xf32>
    %broadcast_in_dim3A = vector.shape_cast %get3A_49 : vector<200x32xf32> to vector<200x32x1xf32>
    %mul3A_50 = vector.broadcast %broadcast_in_dim3A : vector<200x32x1xf32> to vector<200x32x64xf32>
    %mul3A_51 = arith.mulf %reshape3A_46, %mul3A_50 : vector<200x32x64xf32>
    %reduce_sum3A = arith.constant dense<0.000000e+00> : vector<200x64xf32>
    %reduce_sum3A_52 = vector.multi_reduction <add>, %mul3A_51, %reduce_sum3A [1] : vector<200x32x64xf32> to vector<200x64xf32>
    %get3A_53 = arith.constant 0 : index
    %get3A_54 = arith.constant 0 : index
    %get3A_55 = vector.load %arg9[%get3A_53, %get3A_54] : memref<64x64xf32, #tpu.memory_space<vmem>>, vector<64x64xf32>
    %dot_general3A_56 = arith.constant dense<0.000000e+00> : vector<200x64xf32>
    %dot_general3A_57 = tpu.matmul %reduce_sum3A_52, %get3A_55, %dot_general3A_56 {dimension_numbers = #tpu.dot_dimension_numbers<[1], [0], [0], [1], [0, 0, 1, 1], [], []>, transpose_lhs_hint = false} : vector<200x64xf32>, vector<64x64xf32>, vector<200x64xf32> -> vector<200x64xf32>
    %get3A_58 = arith.constant 0 : index
    %get3A_59 = arith.constant 0 : index
    %get3A_60 = vector.load %arg10[%get3A_58, %get3A_59] : memref<1x64xf32, #tpu.memory_space<vmem>>, vector<1x64xf32>
    %add3A_61 = vector.broadcast %get3A_60 : vector<1x64xf32> to vector<200x64xf32>
    %add3A_62 = arith.addf %dot_general3A_57, %add3A_61 : vector<200x64xf32>
    %max3A_63 = arith.constant 0.000000e+00 : f32
    %max3A_64 = vector.broadcast %max3A_63 : f32 to vector<200x64xf32>
    %max3A_65 = arith.maximumf %add3A_62, %max3A_64 : vector<200x64xf32>
    %abs3A_66 = math.absf %add3A_62 : vector<200x64xf32>
    %neg3A_67 = arith.constant 0.000000e+00 : f32
    %neg3A_68 = vector.broadcast %neg3A_67 : f32 to vector<200x64xf32>
    %neg3A_69 = arith.subf %neg3A_68, %abs3A_66 : vector<200x64xf32>
    %exp3A_70 = math.exp %neg3A_69 : vector<200x64xf32>
    %log1p3A_71 = math.log1p %exp3A_70 : vector<200x64xf32>
    %add3A_72 = arith.addf %max3A_65, %log1p3A_71 : vector<200x64xf32>
    %sub3A_73 = arith.constant 0.693147182 : f32
    %sub3A_74 = vector.broadcast %sub3A_73 : f32 to vector<200x64xf32>
    %sub3A_75 = arith.subf %add3A_72, %sub3A_74 : vector<200x64xf32>
    %get3A_76 = arith.constant 0 : index
    %get3A_77 = arith.constant 0 : index
    %get3A_78 = vector.load %arg11[%get3A_76, %get3A_77] : memref<64x64xf32, #tpu.memory_space<vmem>>, vector<64x64xf32>
    %dot_general3A_79 = arith.constant dense<0.000000e+00> : vector<200x64xf32>
    %dot_general3A_80 = tpu.matmul %sub3A_75, %get3A_78, %dot_general3A_79 {dimension_numbers = #tpu.dot_dimension_numbers<[1], [0], [0], [1], [0, 0, 1, 1], [], []>, transpose_lhs_hint = false} : vector<200x64xf32>, vector<64x64xf32>, vector<200x64xf32> -> vector<200x64xf32>
    %get3A_81 = arith.constant 0 : index
    %get3A_82 = arith.constant 0 : index
    %get3A_83 = vector.load %arg12[%get3A_81, %get3A_82] : memref<1x64xf32, #tpu.memory_space<vmem>>, vector<1x64xf32>
    %add3A_84 = vector.broadcast %get3A_83 : vector<1x64xf32> to vector<200x64xf32>
    %add3A_85 = arith.addf %dot_general3A_80, %add3A_84 : vector<200x64xf32>
    %max3A_86 = arith.constant 0.000000e+00 : f32
    %max3A_87 = vector.broadcast %max3A_86 : f32 to vector<200x64xf32>
    %max3A_88 = arith.maximumf %add3A_85, %max3A_87 : vector<200x64xf32>
    %abs3A_89 = math.absf %add3A_85 : vector<200x64xf32>
    %neg3A_90 = arith.constant 0.000000e+00 : f32
    %neg3A_91 = vector.broadcast %neg3A_90 : f32 to vector<200x64xf32>
    %neg3A_92 = arith.subf %neg3A_91, %abs3A_89 : vector<200x64xf32>
    %exp3A_93 = math.exp %neg3A_92 : vector<200x64xf32>
    %log1p3A_94 = math.log1p %exp3A_93 : vector<200x64xf32>
    %add3A_95 = arith.addf %max3A_88, %log1p3A_94 : vector<200x64xf32>
    %sub3A_96 = arith.constant 0.693147182 : f32
    %sub3A_97 = vector.broadcast %sub3A_96 : f32 to vector<200x64xf32>
    %sub3A_98 = arith.subf %add3A_95, %sub3A_97 : vector<200x64xf32>
    %swap3A = arith.constant 0 : index
    %swap3A_99 = arith.constant 0 : index
    %swap3A_100 = vector.load %arg13[%swap3A, %swap3A_99] : memref<200x64xf32, #tpu.memory_space<vmem>>, vector<200x64xf32>
    tpu.vector_store %arg13[%swap3A, %swap3A_99], %sub3A_98 {strides = array<i32>} : memref<200x64xf32, #tpu.memory_space<vmem>>, vector<200x64xf32>,
    return
  }
  func.func @transform_0(%arg0: i32) -> (i32, i32) {
    %c0_i32 = arith.constant 0 : i32
    %c0_i32_0 = arith.constant 0 : i32
    return %arg0, %c0_i32 : i32, i32
  }
  func.func @transform_1(%arg0: i32) -> i32 {
    %c0_i32 = arith.constant 0 : i32
    return %arg0 : i32
  }
  func.func @transform_2(%arg0: i32) -> (i32, i32) {
    %c0_i32 = arith.constant 0 : i32
    %c0_i32_0 = arith.constant 0 : i32
    return %arg0, %c0_i32 : i32, i32
  }
  func.func @transform_3(%arg0: i32) -> (i32, i32) {
    %c0_i32 = arith.constant 0 : i32
    %c0_i32_0 = arith.constant 0 : i32
    return %arg0, %c0_i32 : i32, i32
  }
  func.func @transform_4(%arg0: i32) -> (i32, i32) {
    %c0_i32 = arith.constant 0 : i32
    %c0_i32_0 = arith.constant 0 : i32
    %c0_i32_1 = arith.constant 0 : i32
    return %c0_i32, %c0_i32_0 : i32, i32
  }
  func.func @transform_5(%arg0: i32) -> (i32, i32) {
    %c0_i32 = arith.constant 0 : i32
    %c0_i32_0 = arith.constant 0 : i32
    %c0_i32_1 = arith.constant 0 : i32
    return %c0_i32, %c0_i32_0 : i32, i32
  }
  func.func @transform_6(%arg0: i32) -> (i32, i32) {
    %c0_i32 = arith.constant 0 : i32
    %c0_i32_0 = arith.constant 0 : i32
    %c0_i32_1 = arith.constant 0 : i32
    return %c0_i32, %c0_i32_0 : i32, i32
  }
  func.func @transform_7(%arg0: i32) -> (i32, i32) {
    %c0_i32 = arith.constant 0 : i32
    %c0_i32_0 = arith.constant 0 : i32
    %c0_i32_1 = arith.constant 0 : i32
    return %c0_i32, %c0_i32_0 : i32, i32
  }
  func.func @transform_8(%arg0: i32) -> (i32, i32) {
    %c0_i32 = arith.constant 0 : i32
    %c0_i32_0 = arith.constant 0 : i32
    %c0_i32_1 = arith.constant 0 : i32
    return %c0_i32, %c0_i32_0 : i32, i32
  }
  func.func @transform_9(%arg0: i32) -> (i32, i32) {
    %c0_i32 = arith.constant 0 : i32
    %c0_i32_0 = arith.constant 0 : i32
    %c0_i32_1 = arith.constant 0 : i32
    return %c0_i32, %c0_i32_0 : i32, i32
  }
  func.func @transform_10(%arg0: i32) -> (i32, i32) {
    %c0_i32 = arith.constant 0 : i32
    %c0_i32_0 = arith.constant 0 : i32
    %c0_i32_1 = arith.constant 0 : i32
    return %c0_i32, %c0_i32_0 : i32, i32
  }
  func.func @transform_11(%arg0: i32) -> (i32, i32) {
    %c0_i32 = arith.constant 0 : i32
    %c0_i32_0 = arith.constant 0 : i32
    %c0_i32_1 = arith.constant 0 : i32
    return %c0_i32, %c0_i32_0 : i32, i32
  }
  func.func @transform_12(%arg0: i32) -> (i32, i32) {
    %c0_i32 = arith.constant 0 : i32
    %c0_i32_0 = arith.constant 0 : i32
    return %arg0, %c0_i32 : i32, i32
  }
}

</mosaic_0001>

<sc_bundles>
// kernel: kernel.4.cloned.1.call-start
scs
__scs_entry_jumppad:
0x0: {  	(pc) =	sbr.rel $0x88, $3  }
0x1: {  	(tag) =	ssettag $0x0;
	lr =	simm.s32 $0x1  }
0x2: {  	[smem:$0x3F94] =	sst lr;
	_ =	strace $0xD0000000  }
0x3: {  	_ = 	snop  }
0x4: {  	_ = 	snop  }
0x5: {  	_ = 	snop  }
0x6: {  	_ = 	snop  }
0x7: {  	_ = 	snop  }
__scs_overlays_trampoline_lowered:
0x8: {  	[smem:$0x3FA3] =	sst s0  }
0x9: {  	[smem:$0x3FA4] =	sst s1  }
0xa: {  	[smem:$0x3FA5] =	sst s2  }
0xb: {  	[smem:$0x3FA6] =	sst s3  }
0xc: {  	[smem:$0x3FA7] =	sst s4  }
0xd: {  	[smem:$0x3FA8] =	sst s5  }
0xe: {  	[smem:$0x3FA9] =	sst s6  }
0xf: {  	[smem:$0x3FAA] =	sst s7  }
0x10: {  	[smem:$0x3FAB] =	sst s8  }
0x11: {  	[smem:$0x3FAC] =	sst s9;
	s0 =	simm.s32 @!p0 $0x0  }
0x12: {  	s1 =	sld [smem:$0x3F92];
	s0 =	simm.s32 @p0 $0x1  }
0x13: {  	[smem:$0x3FAD] =	sst s0;
	s0 =	simm.s32 @!p1 $0x0  }
0x14: {  	s2 =	sld [smem:$0x3F91];
	s0 =	simm.s32 @p1 $0x1  }
0x15: {  	[smem:$0x3FAE] =	sst s0;
	s0 =	simm.s32 @!p2 $0x0  }
0x16: {  	s3 =	sld [smem:$0x3FDB];
	s0 =	simm.s32 @p2 $0x1  }
0x17: {  	s4 =	simm.s32 $0x1BF5;
	[smem:$0x3FB0] =	sst s0  }
0x18: {  	s0 =	sld [smem:$0x3F93];
	_ =	swait.ge [sflag:s4], $0x0  }
0x19: {  	s7 =	sld [smem:$0x3F94]  }
0x1a: {  	s8 =	sadd.s32 $0xFFFFE003, lr  }
0x1b: {  	s9 =	sadd.s32 $0xFFFFFEF7, lr;
	s5 =	simm.s32 $0xFFFFFFFF;
	p2 =	slt.u32 s8, $0xFFFFF086  }
0x1c: {  	p1 =	slt.u32 s9, $0xF7A;
	s5 =	simm.s32 @!p2 $0x0  }
0x1d: {  	s5 =	simm.s32 @p1 $0x1;
	p0 =	seq.s32 s7, s2  }
0x1e: {  	s7 =	smul.u32 @!p0 $0xF7A, s2;
	p2 =	seq.s32 @!p0 s5, $0x0  }
0x1f: {  	s9 =	smul.u32 $0xF7A, s1;
	s8 =	simm.s32 @!p0 $0x1BF5;
	p2 =	por !p2, p0  }
0x20: {  	[sflag:s8] =	ssyncset.s32 @!p0 $0xFFFFF086;
	s6 =	sadd.s32 @!p0 s3, s7;
	s7 =	simm.s32 @!p0 $0x108  }
0x21: {  	s3 =	sadd.s32 s3, s9;
	s6 =	sadd.s32 @!p0 $0x88, s6;
	s7 =	simm.s32 @p2 $0x1082  }
0x22: {  	[simem:s7], [sflag:s8] =	dma.local @!p0 [hbm:s6], $0xF7A  }
0x23: {  	s9 =	sor.u32 $0xD0000000, s2;
	s6 =	simm.s32 $0x108;
	_ =	swait.ge @!p0 [sflag:s8], $0x0  }
0x24: {  	s3 =	sadd.s32 $0x88, s3;
	s6 =	simm.s32 @!p1 $0x1082;
	[sflag:s4] =	ssyncset.s32 $0xFFFFF086  }
0x25: {  	[simem:s6], [sflag:s4] =	dma.local [hbm:s3], $0xF7A  }
0x26: {  	[smem:$0x3F94] =	sst s1;
	(tag) =	ssettag s2;
	_ =	strace s9  }
0x27: {  	s1 =	sld [smem:$0x3FA4]  }
0x28: {  	s2 =	sld [smem:$0x3FA5]  }
0x29: {  	s4 =	sld [smem:$0x3FA7]  }
0x2a: {  	p0 =	seq.s32 s5, $0x0;
	s5 =	sld [smem:$0x3FA8]  }
0x2b: {  	s6 =	sld [smem:$0x3FA9]  }
0x2c: {  	s7 =	sld [smem:$0x3FAA]  }
0x2d: {  	s3 =	simm.s32 $0x108;
	s8 =	sld [smem:$0x3FAB]  }
0x2e: {  	s3 =	simm.s32 @!p0 $0x1082;
	s9 =	sld [smem:$0x3FAC]  }
0x2f: {  	lr =	sadd.s32 s0, s3;
	s0 =	sld [smem:$0x3FA3]  }
0x30: {  	s3 =	sld [smem:$0x3FA6]  }
0x31: {  	[smem:$0x3FAF] =	sst s10  }
0x32: {  	s10 =	sld [smem:$0x3FAD];
	_ =	sdelay $0x3  }
0x33: {  	p0 =	seq.s32 s10, $0x1;
	s10 =	sld [smem:$0x3FAF];
	_ =	sdelay $0x3  }
0x34: {  	[smem:$0x3FAF] =	sst s10  }
0x35: {  	s10 =	sld [smem:$0x3FAE];
	_ =	sdelay $0x3  }
0x36: {  	p1 =	seq.s32 s10, $0x1;
	s10 =	sld [smem:$0x3FAF];
	_ =	sdelay $0x3  }
0x37: {  	[smem:$0x3FAF] =	sst s10  }
0x38: {  	s10 =	sld [smem:$0x3FB0]  }
0x39: {  	_ = 	snop;
	(pc) =	sbr.ind lr, $3  }
0x3a: {  	_ = 	snop  }
0x3b: {  	_ = 	snop  }
0x3c: {  	p2 =	seq.s32 s10, $0x1;
	s10 =	sld [smem:$0x3FAF]  }
0x3d: {  	_ =	shalt  }
0x3e: {  	_ =	shalt  }
0x3f: {  	_ =	shalt  }
0x40: {  	_ =	shalt  }
0x41: {  	_ =	shalt  }
0x42: {  	_ =	shalt  }
0x43: {  	_ =	shalt  }
0x44: {  	_ =	shalt  }
0x45: {  	_ =	shalt  }
0x46: {  	_ =	shalt  }
0x47: {  	_ =	shalt  }
0x48: {  	_ =	shalt  }
0x49: {  	_ =	shalt  }
0x4a: {  	_ =	shalt  }
0x4b: {  	_ =	shalt  }
0x4c: {  	_ =	shalt  }
0x4d: {  	_ =	shalt  }
0x4e: {  	_ =	shalt  }
0x4f: {  	_ =	shalt  }
0x50: {  	_ =	shalt  }
0x51: {  	_ =	shalt  }
0x52: {  	_ =	shalt  }
0x53: {  	_ =	shalt  }
0x54: {  	_ =	shalt  }
0x55: {  	_ =	shalt  }
0x56: {  	_ =	shalt  }
0x57: {  	_ =	shalt  }
0x58: {  	_ =	shalt  }
0x59: {  	_ =	shalt  }
0x5a: {  	_ =	shalt  }
0x5b: {  	_ =	shalt  }
0x5c: {  	_ =	shalt  }
0x5d: {  	_ =	shalt  }
0x5e: {  	_ =	shalt  }
0x5f: {  	_ =	shalt  }
0x60: {  	_ =	shalt  }
0x61: {  	_ =	shalt  }
0x62: {  	_ =	shalt  }
0x63: {  	_ =	shalt  }
0x64: {  	_ =	shalt  }
0x65: {  	_ =	shalt  }
0x66: {  	_ =	shalt  }
0x67: {  	_ =	shalt  }
0x68: {  	_ =	shalt  }
0x69: {  	_ =	shalt  }
0x6a: {  	_ =	shalt  }
0x6b: {  	_ =	shalt  }
0x6c: {  	_ =	shalt  }
0x6d: {  	_ =	shalt  }
0x6e: {  	_ =	shalt  }
0x6f: {  	_ =	shalt  }
0x70: {  	_ =	shalt  }
0x71: {  	_ =	shalt  }
0x72: {  	_ =	shalt  }
0x73: {  	_ =	shalt  }
0x74: {  	_ =	shalt  }
0x75: {  	_ =	shalt  }
0x76: {  	_ =	shalt  }
0x77: {  	_ =	shalt  }
0x78: {  	_ =	shalt  }
0x79: {  	_ =	shalt  }
0x7a: {  	_ =	shalt  }
0x7b: {  	_ =	shalt  }
0x7c: {  	_ =	shalt  }
0x7d: {  	_ =	shalt  }
0x7e: {  	_ =	shalt  }
0x7f: {  	_ =	shalt  }
0x80: {  	_ =	shalt  }
0x81: {  	_ =	shalt  }
0x82: {  	_ =	shalt  }
0x83: {  	_ =	shalt  }
0x84: {  	_ =	shalt  }
0x85: {  	_ =	shalt  }
0x86: {  	_ =	shalt  }
0x87: {  	_ =	shalt  }
.Lfunc_end0:
.L_simem_size_0:
called_computation_lowered:
.L_overlay_start_0:
0x88: {  	s2 =	sld [smem:$0x3FD9]  }
0x89: {  	s3 =	sld [smem:$0x3FFE];
	_ =	sdelay $0x1  }
0x8a: {  	s1 =	srdreg.scid  }
0x8b: {  	s0 =	sand.u32 $0x1, s1  }
0x8c: {  	s17 =	sshll.u32 s0, $0xA;
	s2 =	sadd.s32 s3, s2  }
0x8d: {  	s2 =	sadd.s32 s2, s17  }
0x8e: {  	[smem:$0x3FBB] =	sst s2  }
0x8f: {  	_ = 	snop  }
0x90: {  	s2 =	sld [smem:$0x3FD0];
	(tm) =	ssettm $0x1  }
0x91: {  	s18 =	sld [smem:$0x3FFB];
	_ =	sdelay $0x3  }
0x92: {  	_ =	strace s18  }
0x93: {  	s3 =	sld [smem:$0x3FFC];
	_ =	sdelay $0x3  }
0x94: {  	_ =	strace s3  }
0x95: {  	s3 =	sld [smem:$0x3FFD];
	_ =	sdelay $0x3  }
0x96: {  	_ =	strace s3  }
0x97: {  	_ =	strace $0x8FFFFFFF  }
0x98: {  	s19 =	sld [smem:$0x3FDB];
	_ =	sdelay $0x1  }
0x99: {  	s4 =	simm.s32 $_scs_section_size  }
0x9a: {  	s5 =	simm.s32 $_size__tile_overlayer_lowered;
	s6 =	simm.s32 $_tile_overlayer_lowered  }
0x9b: {  	s22 =	simm.s32 $0x1BFF;
	s21 =	sshll.u32 s6, $0x1;
	s3 =	sadd.s32 s4, s19  }
0x9c: {  	s7 =	simm.s32 $0x0;
	s20 =	sshll.u32 s5, $0x1;
	s5 =	sadd.s32 s21, s3  }
0x9d: {  	[timem:s7], [sflag:s22] =	dma.local [hbm:s5], s20  }
0x9e: {  	_ =	swait.ge [sflag:s22], s20  }
0x9f: {  	s4 =	ssub.s32 $0x0, s20;
	[sflag:s22] =	ssyncset.done $0x0  }
0xa0: {  	[sflag:s22] =	ssyncadd.s32 s4;
	_ =	sdelay $0x1  }
0xa1: {  	s23 =	simm.s32 $0x1B8B  }
0xa2: {  	_ =	swait.ge [sflag:s23], $0x1  }
0xa3: {  	[sflag:s23] =	ssyncset.done $0x0  }
0xa4: {  	s25 =	simm.s32 $0x1B8E;
	s24 =	sld [smem:$0x3FFE];
	[sflag:s23] =	ssyncadd.s32 $0xFFFFFFFF  }
0xa5: {  	s26 =	simm.s32 $execute0_lowered;
	[smem:$0x3FD2] =	sst s25  }
0xa6: {  	s5 =	sshll.u32 s26, $0x1;
	_ =	strace $0x80000046;
	[dreg:$0x1] =	wrdreg $0xFFFFFFFF  }
0xa7: {  	s28 =	simm.s32 $_size_execute0_lowered;
	s3 =	sadd.s32 s3, s5;
	[dreg:$0x0] =	wrdreg $0x0  }
0xa8: {  	s5 =	sshll.u32 s28, $0x1;
	[dreg:$0x2] =	wrdreg s3  }
0xa9: {  	[dreg:$0x3] =	wrdreg s5  }
0xaa: {  	[dreg:$0x4] =	wrdreg $0xC0  }
0xab: {  	_ =	task [dreg:s7], $0x5FFFF  }
0xac: {  	[dreg:$0x1] =	wrdreg $0xFFFFFFFF  }
0xad: {  	[dreg:$0x0] =	wrdreg $0x60  }
0xae: {  	[dreg:$0x2] =	wrdreg s2  }
0xaf: {  	[dreg:$0x3] =	wrdreg s24  }
0xb0: {  	[dreg:$0x4] =	wrdreg $0x9  }
0xb1: {  	_ =	task.clear_ibuf [dreg:s7], $0x5FFFF;
	_ =	strace $0x90000046  }
0xb2: {  	s29 =	simm.s32 $0x9;
	_ =	strace $0x80000048  }
0xb3: {  	_ =	swait.ge [sflag:s29], $0x1  }
0xb4: {  	[sflag:s29] =	ssyncadd.s32 $0xFFFFFFFF  }
0xb5: {  	_ =	strace $0x90000048  }
0xb6: {  	_ =	sfence  }
0xb7: {  	s30 =	sld [smem:$0x0];
	_ =	sdelay $0x2  }
0xb8: {  	s31 =	sshll.u32 s1, $0xD;
	s1 =	sshrl.u32 s1, $0x2  }
0xb9: {  	s3 =	sand.u32 $0x4000, s31;
	s1 =	sadd.s32 s1, s30  }
0xba: {  	s0 =	sor.u32 s3, s0;
	s1 =	sshll.u32 s1, $0x11  }
0xbb: {  	s0 =	sor.u32 s1, s0  }
0xbc: {  	s0 =	sadd.s32 $0x8F2B, s0  }
0xbd: {  	[sflag:s0] =	ssyncadd.remote.s32 $0x1  }
0xbe: {  	_ =	sfence.sel $0xFFFF  }
0xbf: {  	[dreg:$0x0] =	wrdreg $0xFFFFFFFF;
	(pc) =	sbr.abs _section_cstart, $3  }
0xc0: {  	[dreg:$0x1] =	wrdreg $0xFFFFFFFF  }
0xc1: {  	_ =	task.clear_ibuf [dreg:s7], $0x2FFFF;
	_ =	strace $0x9FFFFFFF  }
0xc2: {  	(tm) =	ssettm $0x7FFFFFFF  }
0xc3: {  	_ =	shalt  }
tec
execute0_lowered:
.L_overlay_start_1:
0x0: {  	(tag) =	ssettag $0x1  }
0x1: {  	s1 =	srdreg.scid  }
0x2: {  	s0 =	stileid.u32;
	s2 =	rddreg [dreg:$0x0]  }
0x3: {  	s5 =	rddreg [dreg:$0x1];
	s3 =	simm.s32 $0x0;
	s7 =	smul.u32 $0x271000, s0  }
0x4: {  	s4 =	sand.u32 $0x1, s1;
	s18 =	sshll.u32 s0, $0x1;
	s11 =	smul.u32 $0x4E200, s0  }
0x5: {  	s1 =	rddreg [dreg:$0x2];
	s6 =	sor.u32 s4, s18;
	s10 =	smul.u32 $0x138800, s4  }
0x6: {  	[smem:$0x7FF] =	sst s3;
	s6 =	smul.u32 $0x2710, s6  }
0x7: {  	_ =	strace $0x80000047;
	s9 =	ssub.s32 $0x2, s4;
	s20 =	smul.u32 $0x27100, s4  }
0x8: {  	s19 =	sshrl.u32 s9, $0x1;
	s7 =	sadd.s32 s10, s7;
	s6 =	sshrl.u32 s6, $0x3  }
0x9: {  	s10 =	sadd.s32 $0x39800, s7;
	s23 =	sadd.s32 $0x37000, s7;
	s28 =	sadd.s32 $0x34800, s7  }
0xa: {  	s30 =	sadd.s32 $0x32000, s7;
	s31 =	sadd.s32 $0x2F800, s7;
	s13 =	sadd.s32 $0x2D000, s7  }
0xb: {  	s15 =	sadd.s32 $0x2A800, s7;
	s16 =	sadd.s32 $0x28000, s7;
	s8 =	sadd.s32 s6, s5  }
0xc: {  	s6 =	sadd.s32 $0xB600, s5;
	s5 =	ssub.s32 s9, s19;
	s22 =	sshrl.u32 s10, $0x3  }
0xd: {  	s25 =	sshrl.u32 s23, $0x3;
	s29 =	sshrl.u32 s28, $0x3;
	s9 =	sshrl.u32 s30, $0x3  }
0xe: {  	s14 =	sshrl.u32 s13, $0x3;
	s18 =	sshrl.u32 s16, $0x3;
	s23 =	sadd.s32 $0x20800, s7  }
0xf: {  	s28 =	sadd.s32 $0x1E000, s7;
	s30 =	sadd.s32 $0x1B800, s7;
	s13 =	sadd.s32 $0x16800, s7  }
0x10: {  	s16 =	sadd.s32 $0x11800, s7;
	s10 =	simm.s32 $0x1;
	s4 =	sadd.s32 $0x1800, s8  }
0x11: {  	s21 =	sadd.s32 s11, s6;
	s24 =	sadd.s32 s22, s6;
	s26 =	sadd.s32 s25, s6  }
0x12: {  	s9 =	sadd.s32 s9, s6;
	s11 =	sshrl.u32 s31, $0x3;
	s19 =	sadd.s32 s18, s6  }
0x13: {  	s22 =	sadd.s32 $0x23000, s7;
	s25 =	sshrl.u32 s23, $0x3;
	s31 =	sadd.s32 $0x19000, s7  }
0x14: {  	s18 =	sshrl.u32 s16, $0x3;
	s23 =	sadd.s32 $0xA000, s7;
	[dreg:$0x4] =	wrdreg s24  }
0x15: {  	s5 =	smax.u32 s5, $0x1;
	s16 =	simm.s32 $0x0;
	[dreg:$0x5] =	wrdreg s26  }
0x16: {  	s8 =	sadd.s32 s20, s21;
	[dreg:$0x7] =	wrdreg s9;
	s12 =	sadd.s32 s11, s6  }
0x17: {  	s9 =	sshrl.u32 s15, $0x3;
	s20 =	sadd.s32 $0x25800, s7;
	[dreg:$0xb] =	wrdreg s19  }
0x18: {  	s26 =	sadd.s32 s25, s6;
	s11 =	sshrl.u32 s31, $0x3;
	s15 =	sadd.s32 $0x14000, s7  }
0x19: {  	s19 =	sadd.s32 s18, s6;
	s25 =	sshrl.u32 s23, $0x3;
	[dreg:$0x3] =	wrdreg s8  }
0x1a: {  	s8 =	sadd.s32 s29, s6;
	[dreg:$0x8] =	wrdreg s12;
	s17 =	sadd.s32 s9, s6  }
0x1b: {  	s21 =	sshrl.u32 s20, $0x3;
	s9 =	sshrl.u32 s22, $0x3;
	[dreg:$0xe] =	wrdreg s26  }
0x1c: {  	s29 =	sshrl.u32 s28, $0x3;
	s12 =	sadd.s32 s11, s6;
	s20 =	sadd.s32 $0xF000, s7  }
0x1d: {  	[dreg:$0x14] =	wrdreg s19;
	s22 =	sadd.s32 $0xC800, s7;
	s26 =	sadd.s32 s25, s6  }
0x1e: {  	s28 =	sadd.s32 $0x7800, s7;
	s11 =	simm.s32 $0x40;
	[dreg:$0x6] =	wrdreg s8  }
0x1f: {  	s8 =	sadd.s32 s14, s6;
	[dreg:$0xa] =	wrdreg s17;
	s24 =	sadd.s32 s9, s6  }
0x20: {  	s9 =	sshrl.u32 s30, $0x3;
	[dreg:$0x11] =	wrdreg s12;
	s14 =	sshrl.u32 s13, $0x3  }
0x21: {  	[dreg:$0x17] =	wrdreg s26;
	s30 =	sadd.s32 $0x5000, s7;
	s7 =	sadd.s32 $0x2800, s7  }
0x22: {  	s12 =	simm.s32 $0x80;
	s13 =	simm.s32 $0x3;
	[dreg:$0x9] =	wrdreg s8  }
0x23: {  	s8 =	sadd.s32 s21, s6;
	[dreg:$0xd] =	wrdreg s24;
	s9 =	sadd.s32 s9, s6  }
0x24: {  	s21 =	sshrl.u32 s20, $0x3;
	s7 =	sshrl.u32 s7, $0x3;
	[dreg:$0xc] =	wrdreg s8  }
0x25: {  	s8 =	sadd.s32 s29, s6;
	[dreg:$0x10] =	wrdreg s9;
	s9 =	sshrl.u32 s15, $0x3  }
0x26: {  	s29 =	sshrl.u32 s28, $0x3;
	[dreg:$0xf] =	wrdreg s8;
	s8 =	sadd.s32 s14, s6  }
0x27: {  	s15 =	simm.s32 $0x4;
	s17 =	sadd.s32 s9, s6;
	[dreg:$0x12] =	wrdreg s8  }
0x28: {  	s9 =	sshrl.u32 s22, $0x3;
	[dreg:$0x13] =	wrdreg s17;
	s8 =	sadd.s32 s21, s6  }
0x29: {  	s14 =	simm.s32 $0x2;
	s24 =	sadd.s32 s9, s6;
	[dreg:$0x15] =	wrdreg s8  }
0x2a: {  	s9 =	sshrl.u32 s30, $0x3;
	[dreg:$0x16] =	wrdreg s24;
	s8 =	sadd.s32 s29, s6  }
0x2b: {  	s31 =	sadd.s32 s9, s6;
	s6 =	sadd.s32 s7, s6;
	[dreg:$0x18] =	wrdreg s8  }
0x2c: {  	s7 =	simm.s32 $0x50;
	s9 =	simm.s32 $0x3B10;
	[dreg:$0x19] =	wrdreg s31  }
0x2d: {  	[dreg:$0x1a] =	wrdreg s6;
	s6 =	simm.s32 $0x5;
	s8 =	simm.s32 $0x2710  }
.LBB2_1:
0x2e: {  	[tilespmem:s3], [sflag:$0x5] =	stream.linear.gather [hbm4b:s4+s3], $0x2710, $0x38;
	[tilespmem:$0x4F10] =	vst v63  }
0x2f: {  	_ =	swait.ge [sflag:s6], $0x2710  }
0x30: {  	[sflag:s6] =	ssyncset.done $0x0  }
0x31: {  	[sflag:s6] =	ssyncadd.s32 $0xFFFFD8F0  }
0x32: {  	[tilespmem:s8], [sflag:$0x1] =	stream.indirect.gather [hbm4b:s2+s7], $0x40, s3, s7, $0xb8;
	[tilespmem:$0x4F10] =	vst v63  }
0x33: {  	s17 =	simm.s32 $0x50  }
0x34: {  	[tilespmem:s9], [sflag:$0x2] =	stream.indirect.gather [hbm4b:s2+s7], $0x40, s17, s7, $0xb8;
	[tilespmem:$0x4F10] =	vst v63  }
0x35: {  	_ =	swait.ge [sflag:s10], $0x1400  }
0x36: {  	s21 =	rddreg [dreg:$0x3];
	[sflag:s10] =	ssyncset.done $0x0  }
0x37: {  	[sflag:s10] =	ssyncadd.s32 $0xFFFFEC00;
	s17 =	sadd.s32 $0x0, s21  }
0x38: {  	[hbm4b:s17+s11] =	stream.strided.scatter [tilespmem:s8], [sflag:$0x3], $0x1400, s12, s11, $0x38;
	[tilespmem:$0x4F10] =	vst v63  }
0x39: {  	_ =	swait.ge [sflag:s13], $0x1400  }
0x3a: {  	[sflag:s13] =	ssyncset.done $0x0  }
0x3b: {  	s18 =	simm.s32 $0xA0;
	[sflag:s13] =	ssyncadd.s32 $0xFFFFEC00  }
0x3c: {  	[tilespmem:s8], [sflag:$0x1] =	stream.indirect.gather [hbm4b:s2+s7], $0x40, s18, s7, $0xb8;
	[tilespmem:$0x4F10] =	vst v63  }
0x3d: {  	_ =	swait.ge [sflag:s14], $0x1400  }
0x3e: {  	s22 =	rddreg [dreg:$0x1a];
	[sflag:s14] =	ssyncset.done $0x0  }
0x3f: {  	[sflag:s14] =	ssyncadd.s32 $0xFFFFEC00;
	s18 =	sadd.s32 $0x0, s22  }
0x40: {  	[hbm4b:s18+s11] =	stream.strided.scatter [tilespmem:s9], [sflag:$0x4], $0x1400, s12, s11, $0x38;
	[tilespmem:$0x4F10] =	vst v63  }
0x41: {  	_ =	swait.ge [sflag:s15], $0x1400  }
0x42: {  	[sflag:s15] =	ssyncset.done $0x0  }
0x43: {  	s23 =	simm.s32 $0xF0;
	[sflag:s15] =	ssyncadd.s32 $0xFFFFEC00  }
0x44: {  	[tilespmem:s9], [sflag:$0x2] =	stream.indirect.gather [hbm4b:s2+s7], $0x40, s23, s7, $0xb8;
	[tilespmem:$0x4F10] =	vst v63  }
0x45: {  	_ =	swait.ge [sflag:s10], $0x1400  }
0x46: {  	s24 =	rddreg [dreg:$0x19];
	[sflag:s10] =	ssyncset.done $0x0  }
0x47: {  	[sflag:s10] =	ssyncadd.s32 $0xFFFFEC00;
	s18 =	sadd.s32 $0x0, s24  }
0x48: {  	[hbm4b:s18+s11] =	stream.strided.scatter [tilespmem:s8], [sflag:$0x3], $0x1400, s12, s11, $0x38;
	[tilespmem:$0x4F10] =	vst v63  }
0x49: {  	_ =	swait.ge [sflag:s13], $0x1400  }
0x4a: {  	[sflag:s13] =	ssyncset.done $0x0  }
0x4b: {  	s25 =	simm.s32 $0x140;
	[sflag:s13] =	ssyncadd.s32 $0xFFFFEC00  }
0x4c: {  	[tilespmem:s8], [sflag:$0x1] =	stream.indirect.gather [hbm4b:s2+s7], $0x40, s25, s7, $0xb8;
	[tilespmem:$0x4F10] =	vst v63  }
0x4d: {  	_ =	swait.ge [sflag:s14], $0x1400  }
0x4e: {  	s26 =	rddreg [dreg:$0x18];
	[sflag:s14] =	ssyncset.done $0x0  }
0x4f: {  	[sflag:s14] =	ssyncadd.s32 $0xFFFFEC00;
	s18 =	sadd.s32 $0x0, s26  }
0x50: {  	[hbm4b:s18+s11] =	stream.strided.scatter [tilespmem:s9], [sflag:$0x4], $0x1400, s12, s11, $0x38;
	[tilespmem:$0x4F10] =	vst v63  }
0x51: {  	_ =	swait.ge [sflag:s15], $0x1400  }
0x52: {  	[sflag:s15] =	ssyncset.done $0x0  }
0x53: {  	s28 =	simm.s32 $0x190;
	[sflag:s15] =	ssyncadd.s32 $0xFFFFEC00  }
0x54: {  	[tilespmem:s9], [sflag:$0x2] =	stream.indirect.gather [hbm4b:s2+s7], $0x40, s28, s7, $0xb8;
	[tilespmem:$0x4F10] =	vst v63  }
0x55: {  	_ =	swait.ge [sflag:s10], $0x1400  }
0x56: {  	s29 =	rddreg [dreg:$0x17];
	[sflag:s10] =	ssyncset.done $0x0  }
0x57: {  	[sflag:s10] =	ssyncadd.s32 $0xFFFFEC00;
	s18 =	sadd.s32 $0x0, s29  }
0x58: {  	[hbm4b:s18+s11] =	stream.strided.scatter [tilespmem:s8], [sflag:$0x3], $0x1400, s12, s11, $0x38;
	[tilespmem:$0x4F10] =	vst v63  }
0x59: {  	_ =	swait.ge [sflag:s13], $0x1400  }
0x5a: {  	[sflag:s13] =	ssyncset.done $0x0  }
0x5b: {  	s30 =	simm.s32 $0x1E0;
	[sflag:s13] =	ssyncadd.s32 $0xFFFFEC00  }
0x5c: {  	[tilespmem:s8], [sflag:$0x1] =	stream.indirect.gather [hbm4b:s2+s7], $0x40, s30, s7, $0xb8;
	[tilespmem:$0x4F10] =	vst v63  }
0x5d: {  	_ =	swait.ge [sflag:s14], $0x1400  }
0x5e: {  	s31 =	rddreg [dreg:$0x16];
	[sflag:s14] =	ssyncset.done $0x0  }
0x5f: {  	[sflag:s14] =	ssyncadd.s32 $0xFFFFEC00;
	s18 =	sadd.s32 $0x0, s31  }
0x60: {  	[hbm4b:s18+s11] =	stream.strided.scatter [tilespmem:s9], [sflag:$0x4], $0x1400, s12, s11, $0x38;
	[tilespmem:$0x4F10] =	vst v63  }
0x61: {  	_ =	swait.ge [sflag:s15], $0x1400  }
0x62: {  	[sflag:s15] =	ssyncset.done $0x0  }
0x63: {  	s19 =	simm.s32 $0x230;
	[sflag:s15] =	ssyncadd.s32 $0xFFFFEC00  }
0x64: {  	[tilespmem:s9], [sflag:$0x2] =	stream.indirect.gather [hbm4b:s2+s7], $0x40, s19, s7, $0xb8;
	[tilespmem:$0x4F10] =	vst v63  }
0x65: {  	_ =	swait.ge [sflag:s10], $0x1400  }
0x66: {  	s20 =	rddreg [dreg:$0x15];
	[sflag:s10] =	ssyncset.done $0x0  }
0x67: {  	[sflag:s10] =	ssyncadd.s32 $0xFFFFEC00;
	s18 =	sadd.s32 $0x0, s20  }
0x68: {  	[hbm4b:s18+s11] =	stream.strided.scatter [tilespmem:s8], [sflag:$0x3], $0x1400, s12, s11, $0x38;
	[tilespmem:$0x4F10] =	vst v63  }
0x69: {  	_ =	swait.ge [sflag:s13], $0x1400  }
0x6a: {  	[sflag:s13] =	ssyncset.done $0x0  }
0x6b: {  	s21 =	simm.s32 $0x280;
	[sflag:s13] =	ssyncadd.s32 $0xFFFFEC00  }
0x6c: {  	[tilespmem:s8], [sflag:$0x1] =	stream.indirect.gather [hbm4b:s2+s7], $0x40, s21, s7, $0xb8;
	[tilespmem:$0x4F10] =	vst v63  }
0x6d: {  	_ =	swait.ge [sflag:s14], $0x1400  }
0x6e: {  	s22 =	rddreg [dreg:$0x14];
	[sflag:s14] =	ssyncset.done $0x0  }
0x6f: {  	[sflag:s14] =	ssyncadd.s32 $0xFFFFEC00;
	s18 =	sadd.s32 $0x0, s22  }
0x70: {  	[hbm4b:s18+s11] =	stream.strided.scatter [tilespmem:s9], [sflag:$0x4], $0x1400, s12, s11, $0x38;
	[tilespmem:$0x4F10] =	vst v63  }
0x71: {  	_ =	swait.ge [sflag:s15], $0x1400  }
0x72: {  	[sflag:s15] =	ssyncset.done $0x0  }
0x73: {  	s23 =	simm.s32 $0x2D0;
	[sflag:s15] =	ssyncadd.s32 $0xFFFFEC00  }
0x74: {  	[tilespmem:s9], [sflag:$0x2] =	stream.indirect.gather [hbm4b:s2+s7], $0x40, s23, s7, $0xb8;
	[tilespmem:$0x4F10] =	vst v63  }
0x75: {  	_ =	swait.ge [sflag:s10], $0x1400  }
0x76: {  	s24 =	rddreg [dreg:$0x13];
	[sflag:s10] =	ssyncset.done $0x0  }
0x77: {  	[sflag:s10] =	ssyncadd.s32 $0xFFFFEC00;
	s18 =	sadd.s32 $0x0, s24  }
0x78: {  	[hbm4b:s18+s11] =	stream.strided.scatter [tilespmem:s8], [sflag:$0x3], $0x1400, s12, s11, $0x38;
	[tilespmem:$0x4F10] =	vst v63  }
0x79: {  	_ =	swait.ge [sflag:s13], $0x1400  }
0x7a: {  	[sflag:s13] =	ssyncset.done $0x0  }
0x7b: {  	s25 =	simm.s32 $0x320;
	[sflag:s13] =	ssyncadd.s32 $0xFFFFEC00  }
0x7c: {  	[tilespmem:s8], [sflag:$0x1] =	stream.indirect.gather [hbm4b:s2+s7], $0x40, s25, s7, $0xb8;
	[tilespmem:$0x4F10] =	vst v63  }
0x7d: {  	_ =	swait.ge [sflag:s14], $0x1400  }
0x7e: {  	s26 =	rddreg [dreg:$0x12];
	[sflag:s14] =	ssyncset.done $0x0  }
0x7f: {  	[sflag:s14] =	ssyncadd.s32 $0xFFFFEC00;
	s18 =	sadd.s32 $0x0, s26  }
0x80: {  	[hbm4b:s18+s11] =	stream.strided.scatter [tilespmem:s9], [sflag:$0x4], $0x1400, s12, s11, $0x38;
	[tilespmem:$0x4F10] =	vst v63  }
0x81: {  	_ =	swait.ge [sflag:s15], $0x1400  }
0x82: {  	[sflag:s15] =	ssyncset.done $0x0  }
0x83: {  	s28 =	simm.s32 $0x370;
	[sflag:s15] =	ssyncadd.s32 $0xFFFFEC00  }
0x84: {  	[tilespmem:s9], [sflag:$0x2] =	stream.indirect.gather [hbm4b:s2+s7], $0x40, s28, s7, $0xb8;
	[tilespmem:$0x4F10] =	vst v63  }
0x85: {  	_ =	swait.ge [sflag:s10], $0x1400  }
0x86: {  	s29 =	rddreg [dreg:$0x11];
	[sflag:s10] =	ssyncset.done $0x0  }
0x87: {  	[sflag:s10] =	ssyncadd.s32 $0xFFFFEC00;
	s18 =	sadd.s32 $0x0, s29  }
0x88: {  	[hbm4b:s18+s11] =	stream.strided.scatter [tilespmem:s8], [sflag:$0x3], $0x1400, s12, s11, $0x38;
	[tilespmem:$0x4F10] =	vst v63  }
0x89: {  	_ =	swait.ge [sflag:s13], $0x1400  }
0x8a: {  	[sflag:s13] =	ssyncset.done $0x0  }
0x8b: {  	s30 =	simm.s32 $0x3C0;
	[sflag:s13] =	ssyncadd.s32 $0xFFFFEC00  }
0x8c: {  	[tilespmem:s8], [sflag:$0x1] =	stream.indirect.gather [hbm4b:s2+s7], $0x40, s30, s7, $0xb8;
	[tilespmem:$0x4F10] =	vst v63  }
0x8d: {  	_ =	swait.ge [sflag:s14], $0x1400  }
0x8e: {  	s31 =	rddreg [dreg:$0x10];
	[sflag:s14] =	ssyncset.done $0x0  }
0x8f: {  	[sflag:s14] =	ssyncadd.s32 $0xFFFFEC00;
	s18 =	sadd.s32 $0x0, s31  }
0x90: {  	[hbm4b:s18+s11] =	stream.strided.scatter [tilespmem:s9], [sflag:$0x4], $0x1400, s12, s11, $0x38;
	[tilespmem:$0x4F10] =	vst v63  }
0x91: {  	_ =	swait.ge [sflag:s15], $0x1400  }
0x92: {  	[sflag:s15] =	ssyncset.done $0x0  }
0x93: {  	s19 =	simm.s32 $0x410;
	[sflag:s15] =	ssyncadd.s32 $0xFFFFEC00  }
0x94: {  	[tilespmem:s9], [sflag:$0x2] =	stream.indirect.gather [hbm4b:s2+s7], $0x40, s19, s7, $0xb8;
	[tilespmem:$0x4F10] =	vst v63  }
0x95: {  	_ =	swait.ge [sflag:s10], $0x1400  }
0x96: {  	s20 =	rddreg [dreg:$0xf];
	[sflag:s10] =	ssyncset.done $0x0  }
0x97: {  	[sflag:s10] =	ssyncadd.s32 $0xFFFFEC00;
	s18 =	sadd.s32 $0x0, s20  }
0x98: {  	[hbm4b:s18+s11] =	stream.strided.scatter [tilespmem:s8], [sflag:$0x3], $0x1400, s12, s11, $0x38;
	[tilespmem:$0x4F10] =	vst v63  }
0x99: {  	_ =	swait.ge [sflag:s13], $0x1400  }
0x9a: {  	[sflag:s13] =	ssyncset.done $0x0  }
0x9b: {  	s21 =	simm.s32 $0x460;
	[sflag:s13] =	ssyncadd.s32 $0xFFFFEC00  }
0x9c: {  	[tilespmem:s8], [sflag:$0x1] =	stream.indirect.gather [hbm4b:s2+s7], $0x40, s21, s7, $0xb8;
	[tilespmem:$0x4F10] =	vst v63  }
0x9d: {  	_ =	swait.ge [sflag:s14], $0x1400  }
0x9e: {  	s22 =	rddreg [dreg:$0xe];
	[sflag:s14] =	ssyncset.done $0x0  }
0x9f: {  	[sflag:s14] =	ssyncadd.s32 $0xFFFFEC00;
	s18 =	sadd.s32 $0x0, s22  }
0xa0: {  	[hbm4b:s18+s11] =	stream.strided.scatter [tilespmem:s9], [sflag:$0x4], $0x1400, s12, s11, $0x38;
	[tilespmem:$0x4F10] =	vst v63  }
0xa1: {  	_ =	swait.ge [sflag:s15], $0x1400  }
0xa2: {  	[sflag:s15] =	ssyncset.done $0x0  }
0xa3: {  	s23 =	simm.s32 $0x4B0;
	[sflag:s15] =	ssyncadd.s32 $0xFFFFEC00  }
0xa4: {  	[tilespmem:s9], [sflag:$0x2] =	stream.indirect.gather [hbm4b:s2+s7], $0x40, s23, s7, $0xb8;
	[tilespmem:$0x4F10] =	vst v63  }
0xa5: {  	_ =	swait.ge [sflag:s10], $0x1400  }
0xa6: {  	s24 =	rddreg [dreg:$0xd];
	[sflag:s10] =	ssyncset.done $0x0  }
0xa7: {  	[sflag:s10] =	ssyncadd.s32 $0xFFFFEC00;
	s18 =	sadd.s32 $0x0, s24  }
0xa8: {  	[hbm4b:s18+s11] =	stream.strided.scatter [tilespmem:s8], [sflag:$0x3], $0x1400, s12, s11, $0x38;
	[tilespmem:$0x4F10] =	vst v63  }
0xa9: {  	_ =	swait.ge [sflag:s13], $0x1400  }
0xaa: {  	[sflag:s13] =	ssyncset.done $0x0  }
0xab: {  	s25 =	simm.s32 $0x500;
	[sflag:s13] =	ssyncadd.s32 $0xFFFFEC00  }
0xac: {  	[tilespmem:s8], [sflag:$0x1] =	stream.indirect.gather [hbm4b:s2+s7], $0x40, s25, s7, $0xb8;
	[tilespmem:$0x4F10] =	vst v63  }
0xad: {  	_ =	swait.ge [sflag:s14], $0x1400  }
0xae: {  	s26 =	rddreg [dreg:$0xc];
	[sflag:s14] =	ssyncset.done $0x0  }
0xaf: {  	[sflag:s14] =	ssyncadd.s32 $0xFFFFEC00;
	s18 =	sadd.s32 $0x0, s26  }
0xb0: {  	[hbm4b:s18+s11] =	stream.strided.scatter [tilespmem:s9], [sflag:$0x4], $0x1400, s12, s11, $0x38;
	[tilespmem:$0x4F10] =	vst v63  }
0xb1: {  	_ =	swait.ge [sflag:s15], $0x1400  }
0xb2: {  	[sflag:s15] =	ssyncset.done $0x0  }
0xb3: {  	s28 =	simm.s32 $0x550;
	[sflag:s15] =	ssyncadd.s32 $0xFFFFEC00  }
0xb4: {  	[tilespmem:s9], [sflag:$0x2] =	stream.indirect.gather [hbm4b:s2+s7], $0x40, s28, s7, $0xb8;
	[tilespmem:$0x4F10] =	vst v63  }
0xb5: {  	_ =	swait.ge [sflag:s10], $0x1400  }
0xb6: {  	s29 =	rddreg [dreg:$0xb];
	[sflag:s10] =	ssyncset.done $0x0  }
0xb7: {  	[sflag:s10] =	ssyncadd.s32 $0xFFFFEC00;
	s18 =	sadd.s32 $0x0, s29  }
0xb8: {  	[hbm4b:s18+s11] =	stream.strided.scatter [tilespmem:s8], [sflag:$0x3], $0x1400, s12, s11, $0x38;
	[tilespmem:$0x4F10] =	vst v63  }
0xb9: {  	_ =	swait.ge [sflag:s13], $0x1400  }
0xba: {  	[sflag:s13] =	ssyncset.done $0x0  }
0xbb: {  	s30 =	simm.s32 $0x5A0;
	[sflag:s13] =	ssyncadd.s32 $0xFFFFEC00  }
0xbc: {  	[tilespmem:s8], [sflag:$0x1] =	stream.indirect.gather [hbm4b:s2+s7], $0x40, s30, s7, $0xb8;
	[tilespmem:$0x4F10] =	vst v63  }
0xbd: {  	_ =	swait.ge [sflag:s14], $0x1400  }
0xbe: {  	s31 =	rddreg [dreg:$0xa];
	[sflag:s14] =	ssyncset.done $0x0  }
0xbf: {  	[sflag:s14] =	ssyncadd.s32 $0xFFFFEC00;
	s18 =	sadd.s32 $0x0, s31  }
0xc0: {  	[hbm4b:s18+s11] =	stream.strided.scatter [tilespmem:s9], [sflag:$0x4], $0x1400, s12, s11, $0x38;
	[tilespmem:$0x4F10] =	vst v63  }
0xc1: {  	_ =	swait.ge [sflag:s15], $0x1400  }
0xc2: {  	[sflag:s15] =	ssyncset.done $0x0  }
0xc3: {  	s19 =	simm.s32 $0x5F0;
	[sflag:s15] =	ssyncadd.s32 $0xFFFFEC00  }
0xc4: {  	[tilespmem:s9], [sflag:$0x2] =	stream.indirect.gather [hbm4b:s2+s7], $0x40, s19, s7, $0xb8;
	[tilespmem:$0x4F10] =	vst v63  }
0xc5: {  	_ =	swait.ge [sflag:s10], $0x1400  }
0xc6: {  	s20 =	rddreg [dreg:$0x9];
	[sflag:s10] =	ssyncset.done $0x0  }
0xc7: {  	[sflag:s10] =	ssyncadd.s32 $0xFFFFEC00;
	s18 =	sadd.s32 $0x0, s20  }
0xc8: {  	[hbm4b:s18+s11] =	stream.strided.scatter [tilespmem:s8], [sflag:$0x3], $0x1400, s12, s11, $0x38;
	[tilespmem:$0x4F10] =	vst v63  }
0xc9: {  	_ =	swait.ge [sflag:s13], $0x1400  }
0xca: {  	[sflag:s13] =	ssyncset.done $0x0  }
0xcb: {  	s21 =	simm.s32 $0x640;
	[sflag:s13] =	ssyncadd.s32 $0xFFFFEC00  }
0xcc: {  	[tilespmem:s8], [sflag:$0x1] =	stream.indirect.gather [hbm4b:s2+s7], $0x40, s21, s7, $0xb8;
	[tilespmem:$0x4F10] =	vst v63  }
0xcd: {  	_ =	swait.ge [sflag:s14], $0x1400  }
0xce: {  	s22 =	rddreg [dreg:$0x8];
	[sflag:s14] =	ssyncset.done $0x0  }
0xcf: {  	[sflag:s14] =	ssyncadd.s32 $0xFFFFEC00;
	s18 =	sadd.s32 $0x0, s22  }
0xd0: {  	[hbm4b:s18+s11] =	stream.strided.scatter [tilespmem:s9], [sflag:$0x4], $0x1400, s12, s11, $0x38;
	[tilespmem:$0x4F10] =	vst v63  }
0xd1: {  	_ =	swait.ge [sflag:s15], $0x1400  }
0xd2: {  	[sflag:s15] =	ssyncset.done $0x0  }
0xd3: {  	s23 =	simm.s32 $0x690;
	[sflag:s15] =	ssyncadd.s32 $0xFFFFEC00  }
0xd4: {  	[tilespmem:s9], [sflag:$0x2] =	stream.indirect.gather [hbm4b:s2+s7], $0x40, s23, s7, $0xb8;
	[tilespmem:$0x4F10] =	vst v63  }
0xd5: {  	_ =	swait.ge [sflag:s10], $0x1400  }
0xd6: {  	s24 =	rddreg [dreg:$0x7];
	[sflag:s10] =	ssyncset.done $0x0  }
0xd7: {  	[sflag:s10] =	ssyncadd.s32 $0xFFFFEC00;
	s18 =	sadd.s32 $0x0, s24  }
0xd8: {  	[hbm4b:s18+s11] =	stream.strided.scatter [tilespmem:s8], [sflag:$0x3], $0x1400, s12, s11, $0x38;
	[tilespmem:$0x4F10] =	vst v63  }
0xd9: {  	_ =	swait.ge [sflag:s13], $0x1400  }
0xda: {  	[sflag:s13] =	ssyncset.done $0x0  }
0xdb: {  	s25 =	simm.s32 $0x6E0;
	[sflag:s13] =	ssyncadd.s32 $0xFFFFEC00  }
0xdc: {  	[tilespmem:s8], [sflag:$0x1] =	stream.indirect.gather [hbm4b:s2+s7], $0x40, s25, s7, $0xb8;
	[tilespmem:$0x4F10] =	vst v63  }
0xdd: {  	_ =	swait.ge [sflag:s14], $0x1400  }
0xde: {  	s26 =	rddreg [dreg:$0x6];
	[sflag:s14] =	ssyncset.done $0x0  }
0xdf: {  	[sflag:s14] =	ssyncadd.s32 $0xFFFFEC00;
	s18 =	sadd.s32 $0x0, s26  }
0xe0: {  	[hbm4b:s18+s11] =	stream.strided.scatter [tilespmem:s9], [sflag:$0x4], $0x1400, s12, s11, $0x38;
	[tilespmem:$0x4F10] =	vst v63  }
0xe1: {  	_ =	swait.ge [sflag:s15], $0x1400  }
0xe2: {  	[sflag:s15] =	ssyncset.done $0x0  }
0xe3: {  	s28 =	simm.s32 $0x730;
	[sflag:s15] =	ssyncadd.s32 $0xFFFFEC00  }
0xe4: {  	[tilespmem:s9], [sflag:$0x2] =	stream.indirect.gather [hbm4b:s2+s7], $0x40, s28, s7, $0xb8;
	[tilespmem:$0x4F10] =	vst v63  }
0xe5: {  	_ =	swait.ge [sflag:s10], $0x1400  }
0xe6: {  	s29 =	rddreg [dreg:$0x5];
	[sflag:s10] =	ssyncset.done $0x0  }
0xe7: {  	[sflag:s10] =	ssyncadd.s32 $0xFFFFEC00;
	s18 =	sadd.s32 $0x0, s29  }
0xe8: {  	[hbm4b:s18+s11] =	stream.strided.scatter [tilespmem:s8], [sflag:$0x3], $0x1400, s12, s11, $0x38;
	[tilespmem:$0x4F10] =	vst v63  }
0xe9: {  	_ =	swait.ge [sflag:s13], $0x1400  }
0xea: {  	[sflag:s13] =	ssyncset.done $0x0  }
0xeb: {  	s30 =	simm.s32 $0x780;
	[sflag:s13] =	ssyncadd.s32 $0xFFFFEC00  }
0xec: {  	[tilespmem:s8], [sflag:$0x1] =	stream.indirect.gather [hbm4b:s2+s7], $0x40, s30, s7, $0xb8;
	[tilespmem:$0x4F10] =	vst v63  }
0xed: {  	_ =	swait.ge [sflag:s14], $0x1400  }
0xee: {  	s31 =	rddreg [dreg:$0x4];
	[sflag:s14] =	ssyncset.done $0x0  }
0xef: {  	[sflag:s14] =	ssyncadd.s32 $0xFFFFEC00;
	s18 =	sadd.s32 $0x0, s31  }
0xf0: {  	[hbm4b:s18+s11] =	stream.strided.scatter [tilespmem:s9], [sflag:$0x4], $0x1400, s12, s11, $0x38;
	[tilespmem:$0x4F10] =	vst v63  }
0xf1: {  	_ =	swait.ge [sflag:s10], $0x1400  }
0xf2: {  	[sflag:s10] =	ssyncset.done $0x0  }
0xf3: {  	s17 =	sadd.s32 $0x7800, s17;
	[sflag:s10] =	ssyncadd.s32 $0xFFFFEC00  }
0xf4: {  	[hbm4b:s17+s11] =	stream.strided.scatter [tilespmem:s8], [sflag:$0x3], $0x1400, s12, s11, $0x38;
	[tilespmem:$0x4F10] =	vst v63  }
0xf5: {  	_ =	swait.ge [sflag:s13], $0x1400  }
0xf6: {  	[sflag:s13] =	ssyncset.done $0x0  }
0xf7: {  	[sflag:s13] =	ssyncadd.s32 $0xFFFFEC00  }
0xf8: {  	_ =	swait.ge [sflag:s15], $0x1400  }
0xf9: {  	s18 =	simm.s32 $0x0;
	s17 =	simm.s32 $0x7D00;
	[sflag:s15] =	ssyncset.done $0x0  }
.LBB2_2:
0xfa: {  	[sflag:s15] =	ssyncadd.s32 $0xFFFFEC00;
	s18 =	sadd.s32 $0x7D0, s18  }
0xfb: {  	[tilespmem:s8], [sflag:$0x1] =	stream.indirect.gather [hbm4b:s2+s7], $0x40, s18, s7, $0xb8;
	[tilespmem:$0x4F10] =	vst v63  }
0xfc: {  	s20 =	sadd.s32 $0x50, s18  }
0xfd: {  	[tilespmem:s9], [sflag:$0x2] =	stream.indirect.gather [hbm4b:s2+s7], $0x40, s20, s7, $0xb8;
	[tilespmem:$0x4F10] =	vst v63  }
0xfe: {  	_ =	swait.ge [sflag:s10], $0x1400  }
0xff: {  	s19 =	smov.u32 s17;
	s30 =	rddreg [dreg:$0x3];
	[sflag:s10] =	ssyncset.done $0x0  }
0x100: {  	[sflag:s10] =	ssyncadd.s32 $0xFFFFEC00;
	s20 =	sadd.s32 s19, s30  }
0x101: {  	[hbm4b:s20+s11] =	stream.strided.scatter [tilespmem:s8], [sflag:$0x3], $0x1400, s12, s11, $0x38;
	[tilespmem:$0x4F10] =	vst v63  }
0x102: {  	_ =	swait.ge [sflag:s13], $0x1400  }
0x103: {  	[sflag:s13] =	ssyncset.done $0x0  }
0x104: {  	s21 =	sadd.s32 $0xA0, s18;
	[sflag:s13] =	ssyncadd.s32 $0xFFFFEC00  }
0x105: {  	[tilespmem:s8], [sflag:$0x1] =	stream.indirect.gather [hbm4b:s2+s7], $0x40, s21, s7, $0xb8;
	[tilespmem:$0x4F10] =	vst v63  }
0x106: {  	_ =	swait.ge [sflag:s14], $0x1400  }
0x107: {  	s31 =	rddreg [dreg:$0x1a];
	[sflag:s14] =	ssyncset.done $0x0  }
0x108: {  	[sflag:s14] =	ssyncadd.s32 $0xFFFFEC00;
	s21 =	sadd.s32 s19, s31  }
0x109: {  	[hbm4b:s21+s11] =	stream.strided.scatter [tilespmem:s9], [sflag:$0x4], $0x1400, s12, s11, $0x38;
	[tilespmem:$0x4F10] =	vst v63  }
0x10a: {  	_ =	swait.ge [sflag:s15], $0x1400  }
0x10b: {  	[sflag:s15] =	ssyncset.done $0x0  }
0x10c: {  	s22 =	sadd.s32 $0xF0, s18;
	[sflag:s15] =	ssyncadd.s32 $0xFFFFEC00  }
0x10d: {  	[tilespmem:s9], [sflag:$0x2] =	stream.indirect.gather [hbm4b:s2+s7], $0x40, s22, s7, $0xb8;
	[tilespmem:$0x4F10] =	vst v63  }
0x10e: {  	_ =	swait.ge [sflag:s10], $0x1400  }
0x10f: {  	s23 =	rddreg [dreg:$0x19];
	[sflag:s10] =	ssyncset.done $0x0  }
0x110: {  	[sflag:s10] =	ssyncadd.s32 $0xFFFFEC00;
	s21 =	sadd.s32 s19, s23  }
0x111: {  	[hbm4b:s21+s11] =	stream.strided.scatter [tilespmem:s8], [sflag:$0x3], $0x1400, s12, s11, $0x38;
	[tilespmem:$0x4F10] =	vst v63  }
0x112: {  	_ =	swait.ge [sflag:s13], $0x1400  }
0x113: {  	[sflag:s13] =	ssyncset.done $0x0  }
0x114: {  	s24 =	sadd.s32 $0x140, s18;
	[sflag:s13] =	ssyncadd.s32 $0xFFFFEC00  }
0x115: {  	[tilespmem:s8], [sflag:$0x1] =	stream.indirect.gather [hbm4b:s2+s7], $0x40, s24, s7, $0xb8;
	[tilespmem:$0x4F10] =	vst v63  }
0x116: {  	_ =	swait.ge [sflag:s14], $0x1400  }
0x117: {  	s25 =	rddreg [dreg:$0x18];
	[sflag:s14] =	ssyncset.done $0x0  }
0x118: {  	[sflag:s14] =	ssyncadd.s32 $0xFFFFEC00;
	s21 =	sadd.s32 s19, s25  }
0x119: {  	[hbm4b:s21+s11] =	stream.strided.scatter [tilespmem:s9], [sflag:$0x4], $0x1400, s12, s11, $0x38;
	[tilespmem:$0x4F10] =	vst v63  }
0x11a: {  	_ =	swait.ge [sflag:s15], $0x1400  }
0x11b: {  	[sflag:s15] =	ssyncset.done $0x0  }
0x11c: {  	s26 =	sadd.s32 $0x190, s18;
	[sflag:s15] =	ssyncadd.s32 $0xFFFFEC00  }
0x11d: {  	[tilespmem:s9], [sflag:$0x2] =	stream.indirect.gather [hbm4b:s2+s7], $0x40, s26, s7, $0xb8;
	[tilespmem:$0x4F10] =	vst v63  }
0x11e: {  	_ =	swait.ge [sflag:s10], $0x1400  }
0x11f: {  	s28 =	rddreg [dreg:$0x17];
	[sflag:s10] =	ssyncset.done $0x0  }
0x120: {  	[sflag:s10] =	ssyncadd.s32 $0xFFFFEC00;
	s21 =	sadd.s32 s19, s28  }
0x121: {  	[hbm4b:s21+s11] =	stream.strided.scatter [tilespmem:s8], [sflag:$0x3], $0x1400, s12, s11, $0x38;
	[tilespmem:$0x4F10] =	vst v63  }
0x122: {  	_ =	swait.ge [sflag:s13], $0x1400  }
0x123: {  	[sflag:s13] =	ssyncset.done $0x0  }
0x124: {  	s29 =	sadd.s32 $0x1E0, s18;
	[sflag:s13] =	ssyncadd.s32 $0xFFFFEC00  }
0x125: {  	[tilespmem:s8], [sflag:$0x1] =	stream.indirect.gather [hbm4b:s2+s7], $0x40, s29, s7, $0xb8;
	[tilespmem:$0x4F10] =	vst v63  }
0x126: {  	_ =	swait.ge [sflag:s14], $0x1400  }
0x127: {  	s30 =	rddreg [dreg:$0x16];
	[sflag:s14] =	ssyncset.done $0x0  }
0x128: {  	[sflag:s14] =	ssyncadd.s32 $0xFFFFEC00;
	s21 =	sadd.s32 s19, s30  }
0x129: {  	[hbm4b:s21+s11] =	stream.strided.scatter [tilespmem:s9], [sflag:$0x4], $0x1400, s12, s11, $0x38;
	[tilespmem:$0x4F10] =	vst v63  }
0x12a: {  	_ =	swait.ge [sflag:s15], $0x1400  }
0x12b: {  	[sflag:s15] =	ssyncset.done $0x0  }
0x12c: {  	s31 =	sadd.s32 $0x230, s18;
	[sflag:s15] =	ssyncadd.s32 $0xFFFFEC00  }
0x12d: {  	[tilespmem:s9], [sflag:$0x2] =	stream.indirect.gather [hbm4b:s2+s7], $0x40, s31, s7, $0xb8;
	[tilespmem:$0x4F10] =	vst v63  }
0x12e: {  	_ =	swait.ge [sflag:s10], $0x1400  }
0x12f: {  	s22 =	rddreg [dreg:$0x15];
	[sflag:s10] =	ssyncset.done $0x0  }
0x130: {  	[sflag:s10] =	ssyncadd.s32 $0xFFFFEC00;
	s21 =	sadd.s32 s19, s22  }
0x131: {  	[hbm4b:s21+s11] =	stream.strided.scatter [tilespmem:s8], [sflag:$0x3], $0x1400, s12, s11, $0x38;
	[tilespmem:$0x4F10] =	vst v63  }
0x132: {  	_ =	swait.ge [sflag:s13], $0x1400  }
0x133: {  	[sflag:s13] =	ssyncset.done $0x0  }
0x134: {  	s23 =	sadd.s32 $0x280, s18;
	[sflag:s13] =	ssyncadd.s32 $0xFFFFEC00  }
0x135: {  	[tilespmem:s8], [sflag:$0x1] =	stream.indirect.gather [hbm4b:s2+s7], $0x40, s23, s7, $0xb8;
	[tilespmem:$0x4F10] =	vst v63  }
0x136: {  	_ =	swait.ge [sflag:s14], $0x1400  }
0x137: {  	s24 =	rddreg [dreg:$0x14];
	[sflag:s14] =	ssyncset.done $0x0  }
0x138: {  	[sflag:s14] =	ssyncadd.s32 $0xFFFFEC00;
	s21 =	sadd.s32 s19, s24  }
0x139: {  	[hbm4b:s21+s11] =	stream.strided.scatter [tilespmem:s9], [sflag:$0x4], $0x1400, s12, s11, $0x38;
	[tilespmem:$0x4F10] =	vst v63  }
0x13a: {  	_ =	swait.ge [sflag:s15], $0x1400  }
0x13b: {  	[sflag:s15] =	ssyncset.done $0x0  }
0x13c: {  	s25 =	sadd.s32 $0x2D0, s18;
	[sflag:s15] =	ssyncadd.s32 $0xFFFFEC00  }
0x13d: {  	[tilespmem:s9], [sflag:$0x2] =	stream.indirect.gather [hbm4b:s2+s7], $0x40, s25, s7, $0xb8;
	[tilespmem:$0x4F10] =	vst v63  }
0x13e: {  	_ =	swait.ge [sflag:s10], $0x1400  }
0x13f: {  	s26 =	rddreg [dreg:$0x13];
	[sflag:s10] =	ssyncset.done $0x0  }
0x140: {  	[sflag:s10] =	ssyncadd.s32 $0xFFFFEC00;
	s21 =	sadd.s32 s19, s26  }
0x141: {  	[hbm4b:s21+s11] =	stream.strided.scatter [tilespmem:s8], [sflag:$0x3], $0x1400, s12, s11, $0x38;
	[tilespmem:$0x4F10] =	vst v63  }
0x142: {  	_ =	swait.ge [sflag:s13], $0x1400  }
0x143: {  	[sflag:s13] =	ssyncset.done $0x0  }
0x144: {  	s28 =	sadd.s32 $0x320, s18;
	[sflag:s13] =	ssyncadd.s32 $0xFFFFEC00  }
0x145: {  	[tilespmem:s8], [sflag:$0x1] =	stream.indirect.gather [hbm4b:s2+s7], $0x40, s28, s7, $0xb8;
	[tilespmem:$0x4F10] =	vst v63  }
0x146: {  	_ =	swait.ge [sflag:s14], $0x1400  }
0x147: {  	s29 =	rddreg [dreg:$0x12];
	[sflag:s14] =	ssyncset.done $0x0  }
0x148: {  	[sflag:s14] =	ssyncadd.s32 $0xFFFFEC00;
	s21 =	sadd.s32 s19, s29  }
0x149: {  	[hbm4b:s21+s11] =	stream.strided.scatter [tilespmem:s9], [sflag:$0x4], $0x1400, s12, s11, $0x38;
	[tilespmem:$0x4F10] =	vst v63  }
0x14a: {  	_ =	swait.ge [sflag:s15], $0x1400  }
0x14b: {  	[sflag:s15] =	ssyncset.done $0x0  }
0x14c: {  	s30 =	sadd.s32 $0x370, s18;
	[sflag:s15] =	ssyncadd.s32 $0xFFFFEC00  }
0x14d: {  	[tilespmem:s9], [sflag:$0x2] =	stream.indirect.gather [hbm4b:s2+s7], $0x40, s30, s7, $0xb8;
	[tilespmem:$0x4F10] =	vst v63  }
0x14e: {  	_ =	swait.ge [sflag:s10], $0x1400  }
0x14f: {  	s31 =	rddreg [dreg:$0x11];
	[sflag:s10] =	ssyncset.done $0x0  }
0x150: {  	[sflag:s10] =	ssyncadd.s32 $0xFFFFEC00;
	s21 =	sadd.s32 s19, s31  }
0x151: {  	[hbm4b:s21+s11] =	stream.strided.scatter [tilespmem:s8], [sflag:$0x3], $0x1400, s12, s11, $0x38;
	[tilespmem:$0x4F10] =	vst v63  }
0x152: {  	_ =	swait.ge [sflag:s13], $0x1400  }
0x153: {  	[sflag:s13] =	ssyncset.done $0x0  }
0x154: {  	s22 =	sadd.s32 $0x3C0, s18;
	[sflag:s13] =	ssyncadd.s32 $0xFFFFEC00  }
0x155: {  	[tilespmem:s8], [sflag:$0x1] =	stream.indirect.gather [hbm4b:s2+s7], $0x40, s22, s7, $0xb8;
	[tilespmem:$0x4F10] =	vst v63  }
0x156: {  	_ =	swait.ge [sflag:s14], $0x1400  }
0x157: {  	s23 =	rddreg [dreg:$0x10];
	[sflag:s14] =	ssyncset.done $0x0  }
0x158: {  	[sflag:s14] =	ssyncadd.s32 $0xFFFFEC00;
	s21 =	sadd.s32 s19, s23  }
0x159: {  	[hbm4b:s21+s11] =	stream.strided.scatter [tilespmem:s9], [sflag:$0x4], $0x1400, s12, s11, $0x38;
	[tilespmem:$0x4F10] =	vst v63  }
0x15a: {  	_ =	swait.ge [sflag:s15], $0x1400  }
0x15b: {  	[sflag:s15] =	ssyncset.done $0x0  }
0x15c: {  	s24 =	sadd.s32 $0x410, s18;
	[sflag:s15] =	ssyncadd.s32 $0xFFFFEC00  }
0x15d: {  	[tilespmem:s9], [sflag:$0x2] =	stream.indirect.gather [hbm4b:s2+s7], $0x40, s24, s7, $0xb8;
	[tilespmem:$0x4F10] =	vst v63  }
0x15e: {  	_ =	swait.ge [sflag:s10], $0x1400  }
0x15f: {  	s25 =	rddreg [dreg:$0xf];
	[sflag:s10] =	ssyncset.done $0x0  }
0x160: {  	[sflag:s10] =	ssyncadd.s32 $0xFFFFEC00;
	s21 =	sadd.s32 s19, s25  }
0x161: {  	[hbm4b:s21+s11] =	stream.strided.scatter [tilespmem:s8], [sflag:$0x3], $0x1400, s12, s11, $0x38;
	[tilespmem:$0x4F10] =	vst v63  }
0x162: {  	_ =	swait.ge [sflag:s13], $0x1400  }
0x163: {  	[sflag:s13] =	ssyncset.done $0x0  }
0x164: {  	s26 =	sadd.s32 $0x460, s18;
	[sflag:s13] =	ssyncadd.s32 $0xFFFFEC00  }
0x165: {  	[tilespmem:s8], [sflag:$0x1] =	stream.indirect.gather [hbm4b:s2+s7], $0x40, s26, s7, $0xb8;
	[tilespmem:$0x4F10] =	vst v63  }
0x166: {  	_ =	swait.ge [sflag:s14], $0x1400  }
0x167: {  	s28 =	rddreg [dreg:$0xe];
	[sflag:s14] =	ssyncset.done $0x0  }
0x168: {  	[sflag:s14] =	ssyncadd.s32 $0xFFFFEC00;
	s21 =	sadd.s32 s19, s28  }
0x169: {  	[hbm4b:s21+s11] =	stream.strided.scatter [tilespmem:s9], [sflag:$0x4], $0x1400, s12, s11, $0x38;
	[tilespmem:$0x4F10] =	vst v63  }
0x16a: {  	_ =	swait.ge [sflag:s15], $0x1400  }
0x16b: {  	[sflag:s15] =	ssyncset.done $0x0  }
0x16c: {  	s29 =	sadd.s32 $0x4B0, s18;
	[sflag:s15] =	ssyncadd.s32 $0xFFFFEC00  }
0x16d: {  	[tilespmem:s9], [sflag:$0x2] =	stream.indirect.gather [hbm4b:s2+s7], $0x40, s29, s7, $0xb8;
	[tilespmem:$0x4F10] =	vst v63  }
0x16e: {  	_ =	swait.ge [sflag:s10], $0x1400  }
0x16f: {  	s30 =	rddreg [dreg:$0xd];
	[sflag:s10] =	ssyncset.done $0x0  }
0x170: {  	[sflag:s10] =	ssyncadd.s32 $0xFFFFEC00;
	s21 =	sadd.s32 s19, s30  }
0x171: {  	[hbm4b:s21+s11] =	stream.strided.scatter [tilespmem:s8], [sflag:$0x3], $0x1400, s12, s11, $0x38;
	[tilespmem:$0x4F10] =	vst v63  }
0x172: {  	_ =	swait.ge [sflag:s13], $0x1400  }
0x173: {  	[sflag:s13] =	ssyncset.done $0x0  }
0x174: {  	s31 =	sadd.s32 $0x500, s18;
	[sflag:s13] =	ssyncadd.s32 $0xFFFFEC00  }
0x175: {  	[tilespmem:s8], [sflag:$0x1] =	stream.indirect.gather [hbm4b:s2+s7], $0x40, s31, s7, $0xb8;
	[tilespmem:$0x4F10] =	vst v63  }
0x176: {  	_ =	swait.ge [sflag:s14], $0x1400  }
0x177: {  	s22 =	rddreg [dreg:$0xc];
	[sflag:s14] =	ssyncset.done $0x0  }
0x178: {  	[sflag:s14] =	ssyncadd.s32 $0xFFFFEC00;
	s21 =	sadd.s32 s19, s22  }
0x179: {  	[hbm4b:s21+s11] =	stream.strided.scatter [tilespmem:s9], [sflag:$0x4], $0x1400, s12, s11, $0x38;
	[tilespmem:$0x4F10] =	vst v63  }
0x17a: {  	_ =	swait.ge [sflag:s15], $0x1400  }
0x17b: {  	[sflag:s15] =	ssyncset.done $0x0  }
0x17c: {  	s23 =	sadd.s32 $0x550, s18;
	[sflag:s15] =	ssyncadd.s32 $0xFFFFEC00  }
0x17d: {  	[tilespmem:s9], [sflag:$0x2] =	stream.indirect.gather [hbm4b:s2+s7], $0x40, s23, s7, $0xb8;
	[tilespmem:$0x4F10] =	vst v63  }
0x17e: {  	_ =	swait.ge [sflag:s10], $0x1400  }
0x17f: {  	s24 =	rddreg [dreg:$0xb];
	[sflag:s10] =	ssyncset.done $0x0  }
0x180: {  	[sflag:s10] =	ssyncadd.s32 $0xFFFFEC00;
	s21 =	sadd.s32 s19, s24  }
0x181: {  	[hbm4b:s21+s11] =	stream.strided.scatter [tilespmem:s8], [sflag:$0x3], $0x1400, s12, s11, $0x38;
	[tilespmem:$0x4F10] =	vst v63  }
0x182: {  	_ =	swait.ge [sflag:s13], $0x1400  }
0x183: {  	[sflag:s13] =	ssyncset.done $0x0  }
0x184: {  	s25 =	sadd.s32 $0x5A0, s18;
	[sflag:s13] =	ssyncadd.s32 $0xFFFFEC00  }
0x185: {  	[tilespmem:s8], [sflag:$0x1] =	stream.indirect.gather [hbm4b:s2+s7], $0x40, s25, s7, $0xb8;
	[tilespmem:$0x4F10] =	vst v63  }
0x186: {  	_ =	swait.ge [sflag:s14], $0x1400  }
0x187: {  	s26 =	rddreg [dreg:$0xa];
	[sflag:s14] =	ssyncset.done $0x0  }
0x188: {  	[sflag:s14] =	ssyncadd.s32 $0xFFFFEC00;
	s21 =	sadd.s32 s19, s26  }
0x189: {  	[hbm4b:s21+s11] =	stream.strided.scatter [tilespmem:s9], [sflag:$0x4], $0x1400, s12, s11, $0x38;
	[tilespmem:$0x4F10] =	vst v63  }
0x18a: {  	_ =	swait.ge [sflag:s15], $0x1400  }
0x18b: {  	[sflag:s15] =	ssyncset.done $0x0  }
0x18c: {  	s28 =	sadd.s32 $0x5F0, s18;
	[sflag:s15] =	ssyncadd.s32 $0xFFFFEC00  }
0x18d: {  	[tilespmem:s9], [sflag:$0x2] =	stream.indirect.gather [hbm4b:s2+s7], $0x40, s28, s7, $0xb8;
	[tilespmem:$0x4F10] =	vst v63  }
0x18e: {  	_ =	swait.ge [sflag:s10], $0x1400  }
0x18f: {  	s29 =	rddreg [dreg:$0x9];
	[sflag:s10] =	ssyncset.done $0x0  }
0x190: {  	[sflag:s10] =	ssyncadd.s32 $0xFFFFEC00;
	s21 =	sadd.s32 s19, s29  }
0x191: {  	[hbm4b:s21+s11] =	stream.strided.scatter [tilespmem:s8], [sflag:$0x3], $0x1400, s12, s11, $0x38;
	[tilespmem:$0x4F10] =	vst v63  }
0x192: {  	_ =	swait.ge [sflag:s13], $0x1400  }
0x193: {  	[sflag:s13] =	ssyncset.done $0x0  }
0x194: {  	s30 =	sadd.s32 $0x640, s18;
	[sflag:s13] =	ssyncadd.s32 $0xFFFFEC00  }
0x195: {  	[tilespmem:s8], [sflag:$0x1] =	stream.indirect.gather [hbm4b:s2+s7], $0x40, s30, s7, $0xb8;
	[tilespmem:$0x4F10] =	vst v63  }
0x196: {  	_ =	swait.ge [sflag:s14], $0x1400  }
0x197: {  	s31 =	rddreg [dreg:$0x8];
	[sflag:s14] =	ssyncset.done $0x0  }
0x198: {  	[sflag:s14] =	ssyncadd.s32 $0xFFFFEC00;
	s21 =	sadd.s32 s19, s31  }
0x199: {  	[hbm4b:s21+s11] =	stream.strided.scatter [tilespmem:s9], [sflag:$0x4], $0x1400, s12, s11, $0x38;
	[tilespmem:$0x4F10] =	vst v63  }
0x19a: {  	_ =	swait.ge [sflag:s15], $0x1400  }
0x19b: {  	[sflag:s15] =	ssyncset.done $0x0  }
0x19c: {  	s22 =	sadd.s32 $0x690, s18;
	[sflag:s15] =	ssyncadd.s32 $0xFFFFEC00  }
0x19d: {  	[tilespmem:s9], [sflag:$0x2] =	stream.indirect.gather [hbm4b:s2+s7], $0x40, s22, s7, $0xb8;
	[tilespmem:$0x4F10] =	vst v63  }
0x19e: {  	_ =	swait.ge [sflag:s10], $0x1400  }
0x19f: {  	s23 =	rddreg [dreg:$0x7];
	[sflag:s10] =	ssyncset.done $0x0  }
0x1a0: {  	[sflag:s10] =	ssyncadd.s32 $0xFFFFEC00;
	s21 =	sadd.s32 s19, s23  }
0x1a1: {  	[hbm4b:s21+s11] =	stream.strided.scatter [tilespmem:s8], [sflag:$0x3], $0x1400, s12, s11, $0x38;
	[tilespmem:$0x4F10] =	vst v63  }
0x1a2: {  	_ =	swait.ge [sflag:s13], $0x1400  }
0x1a3: {  	[sflag:s13] =	ssyncset.done $0x0  }
0x1a4: {  	s24 =	sadd.s32 $0x6E0, s18;
	[sflag:s13] =	ssyncadd.s32 $0xFFFFEC00  }
0x1a5: {  	[tilespmem:s8], [sflag:$0x1] =	stream.indirect.gather [hbm4b:s2+s7], $0x40, s24, s7, $0xb8;
	[tilespmem:$0x4F10] =	vst v63  }
0x1a6: {  	_ =	swait.ge [sflag:s14], $0x1400  }
0x1a7: {  	s25 =	rddreg [dreg:$0x6];
	[sflag:s14] =	ssyncset.done $0x0  }
0x1a8: {  	[sflag:s14] =	ssyncadd.s32 $0xFFFFEC00;
	s21 =	sadd.s32 s19, s25  }
0x1a9: {  	[hbm4b:s21+s11] =	stream.strided.scatter [tilespmem:s9], [sflag:$0x4], $0x1400, s12, s11, $0x38;
	[tilespmem:$0x4F10] =	vst v63  }
0x1aa: {  	_ =	swait.ge [sflag:s15], $0x1400  }
0x1ab: {  	[sflag:s15] =	ssyncset.done $0x0  }
0x1ac: {  	s26 =	sadd.s32 $0x730, s18;
	[sflag:s15] =	ssyncadd.s32 $0xFFFFEC00  }
0x1ad: {  	[tilespmem:s9], [sflag:$0x2] =	stream.indirect.gather [hbm4b:s2+s7], $0x40, s26, s7, $0xb8;
	[tilespmem:$0x4F10] =	vst v63  }
0x1ae: {  	_ =	swait.ge [sflag:s10], $0x1400  }
0x1af: {  	s28 =	rddreg [dreg:$0x5];
	[sflag:s10] =	ssyncset.done $0x0  }
0x1b0: {  	[sflag:s10] =	ssyncadd.s32 $0xFFFFEC00;
	s21 =	sadd.s32 s19, s28  }
0x1b1: {  	[hbm4b:s21+s11] =	stream.strided.scatter [tilespmem:s8], [sflag:$0x3], $0x1400, s12, s11, $0x38;
	[tilespmem:$0x4F10] =	vst v63  }
0x1b2: {  	_ =	swait.ge [sflag:s13], $0x1400  }
0x1b3: {  	[sflag:s13] =	ssyncset.done $0x0  }
0x1b4: {  	s29 =	sadd.s32 $0x780, s18;
	[sflag:s13] =	ssyncadd.s32 $0xFFFFEC00  }
0x1b5: {  	[tilespmem:s8], [sflag:$0x1] =	stream.indirect.gather [hbm4b:s2+s7], $0x40, s29, s7, $0xb8;
	[tilespmem:$0x4F10] =	vst v63  }
0x1b6: {  	_ =	swait.ge [sflag:s14], $0x1400  }
0x1b7: {  	s30 =	rddreg [dreg:$0x4];
	[sflag:s14] =	ssyncset.done $0x0  }
0x1b8: {  	[sflag:s14] =	ssyncadd.s32 $0xFFFFEC00;
	s19 =	sadd.s32 s19, s30  }
0x1b9: {  	[hbm4b:s19+s11] =	stream.strided.scatter [tilespmem:s9], [sflag:$0x4], $0x1400, s12, s11, $0x38;
	[tilespmem:$0x4F10] =	vst v63  }
0x1ba: {  	_ =	swait.ge [sflag:s10], $0x1400  }
0x1bb: {  	[sflag:s10] =	ssyncset.done $0x0  }
0x1bc: {  	p0 =	sne.s32 s17, $0x1F400;
	s31 =	sadd.s32 $0x7800, s20;
	[sflag:s10] =	ssyncadd.s32 $0xFFFFEC00  }
0x1bd: {  	[hbm4b:s31+s11] =	stream.strided.scatter [tilespmem:s8], [sflag:$0x3], $0x1400, s12, s11, $0x38;
	[tilespmem:$0x4F10] =	vst v63  }
.Ltmp0:
0x1be: {  	_ =	swait.ge [sflag:s13], $0x1400;
	(pc) =	sbr.rel @p0 .LBB2_2-.Ltmp0, $4  }
0x1bf: {  	[sflag:s13] =	ssyncset.done $0x0  }
0x1c0: {  	[sflag:s13] =	ssyncadd.s32 $0xFFFFEC00  }
0x1c1: {  	_ =	swait.ge [sflag:s15], $0x1400  }
0x1c2: {  	s17 =	sadd.s32 $0x7D00, s17;
	[sflag:s15] =	ssyncset.done $0x0  }
0x1c3: {  	s16 =	sadd.s32 $0x1, s16  }
0x1c4: {  	p0 =	sne.s32 s16, s5  }
.Ltmp1:
0x1c5: {  	_ = 	snop;
	(pc) =	sbr.rel @p0 .LBB2_1-.Ltmp1, $2  }
0x1c6: {  	_ =	sdelay $0x2  }
0x1c7: {  	[sflag:s15] =	ssyncadd.s32 $0xFFFFEC00  }
0x1c8: {  	_ =	sfence.sel $0x180000  }
0x1c9: {  	[bflag:$0x0] =	sbarrier.arrive $0xFFFF  }
0x1ca: {  	p0 =	sne.s32 s0, $0x0;
	_ =	strace $0x90000047  }
0x1cb: {  	s0 =	sadd.s32 @!p0 $0x100000, s1;
	[bflag:$0x2] =	sbarrier.arrive $0xFFFF  }
0x1cc: {  	[sflag:s0] =	ssyncadd.tile.s32 @!p0 $0x1;
	_ =	shalt  }
.Lfunc_end2:
_tile_overlayer_lowered:
.L_overlay_start_2:
0x1cd: {  	(tag) =	ssettag $0x2  }
0x1ce: {  	s0 =	rddreg [dreg:$0x0];
	s2 =	stileid.u32  }
0x1cf: {  	s1 =	rddreg [dreg:$0x1];
	p0 =	sne.s32 s2, $0x0  }
0x1d0: {  	s3 =	rddreg [dreg:$0x2];
	[bflag:$0x3] =	sbarrier.arrive $0xFFFF;
	s2 =	simm.s32 @!p0 $0x1C05  }
0x1d1: {  	[timem:s3], [sflag:s2] =	dma.local @!p0 [hbm:s0], s1  }
0x1d2: {  	s0 =	simm.s32 @!p0 $0x5  }
0x1d3: {  	_ =	swait.ge @!p0 [sflag:s0], s1  }
0x1d4: {  	s1 =	ssub.s32 @!p0 $0x0, s1;
	[sflag:s0] =	ssyncset.done @!p0 $0x0  }
0x1d5: {  	[sflag:s0] =	ssyncadd.s32 @!p0 s1  }
0x1d6: {  	[bflag:$0x3] =	sbarrier.arrive $0xFFFF  }
0x1d7: {  	_ =	shalt  }

</sc_bundles>
